<compile_context>
chip_gen: v7x
topology: tpu7x:2x2x1
jax: 0.10.2.dev20260603
libtpu: 0.0.44.dev20260713+nightly
codegen_flags: <defaults>
</compile_context>

<pallas_src>
import functools

import jax
import jax.numpy as jnp
from jax import lax
from jax.experimental import pallas as pl
from jax.experimental.pallas import tpu as pltpu
from jax.experimental.pallas import tpu_sc as plsc

_NC = 2
_NS = 16
_L = 16
_NW = _NC * _NS


def _tree_sum(vals):
    while len(vals) > 1:
        nxt = [vals[k] + vals[k + 1] for k in range(0, len(vals) - 1, 2)]
        if len(vals) % 2:
            nxt.append(vals[-1])
        vals = nxt
    return vals[0]


def _sc_combine_body(num_experts, d, tok_per_w, tchunk, dt, tok_offset,
                     eo_hbm, gates_hbm, out_hbm,
                     eo_v, gates_v, out_v0, out_v1, sem0, sem1):
    wid = lax.axis_index("c") * _NS + lax.axis_index("s")
    base = wid * tok_per_w
    ne = num_experts
    pltpu.sync_copy(eo_hbm, eo_v)
    pltpu.sync_copy(
        gates_hbm.at[pl.ds((tok_offset + base) * ne, tok_per_w * ne)], gates_v)

    nvec = dt // _L
    bufs = (out_v0, out_v1)
    sems = (sem0, sem1)
    handles = [None, None]
    dnums = lax.GatherDimensionNumbers(
        offset_dims=(), collapsed_slice_dims=(0,), start_index_map=(0,))

    for tc in range(tok_per_w // tchunk):
        out_v = bufs[tc % 2]
        if handles[tc % 2] is not None:
            handles[tc % 2].wait()

        def dct_body(dct, _):
            dbase = pl.multiple_of(dct * dt, dt)
            eo_vecs = [[eo_v[e, pl.ds(dbase + j * _L, _L)] for j in range(nvec)]
                       for e in range(ne)]

            def pair_body(p, _):
                goff = pl.multiple_of((tc * tchunk + 2 * p) * ne, 2 * ne)
                grow = gates_v[pl.ds(goff, 2 * ne)]
                for parity in range(2):
                    g = [lax.gather(grow,
                                    jnp.full((_L, 1), parity * ne + e, jnp.int32),
                                    dnums, slice_sizes=(1,),
                                    mode=lax.GatherScatterMode.PROMISE_IN_BOUNDS)
                         for e in range(ne)]
                    for j in range(nvec):
                        prods = [g[e] * eo_vecs[e][j] for e in range(ne)]
                        out_v[2 * p + parity, pl.ds(dbase + j * _L, _L)] = (
                            _tree_sum(prods))
                return 0

            lax.fori_loop(0, tchunk // 2, pair_body, 0, unroll=1)
            return 0

        lax.fori_loop(0, d // dt, dct_body, 0)
        handles[tc % 2] = pltpu.async_copy(
            out_v, out_hbm.at[pl.ds(base + tc * tchunk, tchunk)],
            sems[tc % 2])
    for h in handles:
        if h is not None:
            h.wait()


def _sc_combine(expert_outputs, gates_flat, num_tokens, tok_offset, tchunk,
                num_cores=_NC):
    num_experts, d = expert_outputs.shape
    tok_per_w = num_tokens // (num_cores * _NS)
    dt = 64
    mesh = plsc.VectorSubcoreMesh(core_axis_name="c", subcore_axis_name="s",
                                  num_cores=num_cores)
    body = functools.partial(_sc_combine_body, num_experts, d, tok_per_w,
                             tchunk, dt, tok_offset)
    return pl.kernel(
        body,
        out_type=jax.ShapeDtypeStruct((num_tokens, d), jnp.float32),
        mesh=mesh,
        scratch_types=[
            pltpu.VMEM((num_experts, d), jnp.float32),
            pltpu.VMEM((tok_per_w * num_experts,), jnp.float32),
            pltpu.VMEM((tchunk, d), jnp.float32),
            pltpu.VMEM((tchunk, d), jnp.float32),
            pltpu.SemaphoreType.DMA,
            pltpu.SemaphoreType.DMA,
        ],
    )(expert_outputs, gates_flat)


def _tc_body(g_ref, e_ref, o_ref):
    o_ref[...] = jnp.dot(g_ref[...], e_ref[...],
                         preferred_element_type=jnp.float32)


def _tc_matmul(expert_outputs, gates, bm, rows):
    num_images, num_experts = gates.shape
    d = expert_outputs.shape[1]
    return pl.pallas_call(
        _tc_body,
        grid=(rows // bm,),
        in_specs=[
            pl.BlockSpec((bm, num_experts), lambda i: (i, 0)),
            pl.BlockSpec((num_experts, d), lambda i: (0, 0)),
        ],
        out_specs=pl.BlockSpec((bm, d), lambda i: (i, 0)),
        out_shape=jax.ShapeDtypeStruct((num_images, d), jnp.float32),
    )(gates, expert_outputs)


_SC_TOKENS = 512


def kernel(expert_outputs, gates):
    num_images, num_experts = gates.shape
    split = num_images - _SC_TOKENS
    out_sc = _sc_combine(
        expert_outputs, gates[split:].reshape(_SC_TOKENS * num_experts),
        _SC_TOKENS, 0, tchunk=16, num_cores=2)
    bm = 512
    while split % bm:
        bm //= 2
    out_tc = _tc_matmul(expert_outputs, gates, bm=bm, rows=split)
    return lax.dynamic_update_slice(out_tc, out_sc, (split, 0))

# --- scband reference (transcript-rebuilt; emitter-appended) ---
"""Pipeline reference for scband-mo-ecombiner-39685497815990 (READ-ONLY COPY).

The authoritative reference and input builder live on the scoring server;
editing this copy changes nothing except your own understanding.
"""

import jax, jax.numpy as jnp
import numpy as np


def setup_inputs(seed: int = 0) -> dict:
    key = jax.random.key(seed)
    k1, k2 = jax.random.split(key)
    expert_outputs = jax.random.normal(k1, (8, 2048), dtype=jnp.float32)
    gates = jax.random.uniform(k2, (4096, 8), dtype=jnp.float32)
    return {"expert_outputs": expert_outputs, "gates": gates}


def reference(expert_outputs, gates):
    num_images, num_experts = gates.shape
    rows = jnp.repeat(jnp.arange(num_images), num_experts)
    cols = jnp.tile(jnp.arange(num_experts), num_images)
    # edge_index = [expert_idx (source), image_idx (target)]
    edge_weights = gates[rows, cols][:, None]
    # message: x_j * edge_weights, where x_j = expert_outputs[source]
    msgs = expert_outputs[cols] * edge_weights
    d = expert_outputs.shape[1]
    # aggr='add' scatter into target (image) nodes
    out = jnp.zeros((num_images, d), dtype=expert_outputs.dtype).at[rows].add(msgs)
    return out

if __name__ == "__main__":
    import jax
    _d = setup_inputs()
    print(jax.jit(kernel)(*tuple(_d.values())))

</pallas_src>

<mosaic_0001>
#map = affine_map<(d0, d1) -> (0, 0)>
#map1 = affine_map<(d0, d1) -> (0)>
module attributes {stable_mosaic.version = 14 : i64} {
  func.func @_sc_combine_body(%arg0: i32, %arg1: i32, %arg2: memref<8x2048xf32, #tpu.memory_space<hbm>>, %arg3: memref<4096xf32, #tpu.memory_space<hbm>>, %arg4: memref<512x2048xf32, #tpu.memory_space<hbm>>, %arg5: memref<8x2048xf32, #tpu.memory_space<vmem>>, %arg6: memref<128xf32, #tpu.memory_space<vmem>>, %arg7: memref<16x2048xf32, #tpu.memory_space<vmem>>, %arg8: memref<16x2048xf32, #tpu.memory_space<vmem>>, %arg9: memref<!tpu.dma_semaphore, #tpu.memory_space<semaphore_mem>>, %arg10: memref<!tpu.dma_semaphore, #tpu.memory_space<semaphore_mem>>) attributes {dimension_semantics = [#tpu.dimension_semantics<core_parallel>, #tpu.dimension_semantics<subcore_parallel>], iteration_bounds = array<i64: 2, 16>, scalar_prefetch = 0 : i64, scratch_operands = 6 : i64, tpu.core_type = #tpu.core_type<sc_vector_subcore>, window_params = [{transform_indices = #map}, {transform_indices = #map1}, {transform_indices = #map}]} {
    %mul3A = arith.constant 16 : i32
    %mul3A_0 = arith.muli %arg0, %mul3A : i32
    %add3A = arith.addi %mul3A_0, %arg1 : i32
    %mul3A_1 = arith.constant 16 : i32
    %mul3A_2 = arith.muli %add3A, %mul3A_1 : i32
    "tpu.region"() ({
      %run_scoped3A = tpu.sem_alloc : memref<!tpu.dma_semaphore, #tpu.memory_space<semaphore_mem>>
      tpu.enqueue_dma source(%arg2 : memref<8x2048xf32, #tpu.memory_space<hbm>>) target(%arg5 : memref<8x2048xf32, #tpu.memory_space<vmem>>) target_semaphore(%run_scoped3A : memref<!tpu.dma_semaphore, #tpu.memory_space<semaphore_mem>>)
      tpu.wait_dma2 semaphore(%run_scoped3A : memref<!tpu.dma_semaphore, #tpu.memory_space<semaphore_mem>>) src(%arg2 : memref<8x2048xf32, #tpu.memory_space<hbm>>) dst(%arg5 : memref<8x2048xf32, #tpu.memory_space<vmem>>)
      tpu.yield
    }) : () -> ()
    %add3A_3 = arith.constant 0 : i32
    %add3A_4 = arith.addi %add3A_3, %mul3A_2 : i32
    %mul3A_5 = arith.constant 8 : i32
    %mul3A_6 = arith.muli %add3A_4, %mul3A_5 : i32
    "tpu.region"() ({
      %run_scoped3A = tpu.sem_alloc : memref<!tpu.dma_semaphore, #tpu.memory_space<semaphore_mem>>
      %dma_start3A_21 = tpu.memref_slice %arg3[%mul3A_6] : memref<4096xf32, #tpu.memory_space<hbm>> -> memref<128xf32, #tpu.memory_space<hbm>>
      %dma_start3A_22 = tpu.memref_slice %arg3[%mul3A_6] : memref<4096xf32, #tpu.memory_space<hbm>> -> memref<128xf32, #tpu.memory_space<hbm>>
      tpu.enqueue_dma source(%dma_start3A_22 : memref<128xf32, #tpu.memory_space<hbm>>) target(%arg6 : memref<128xf32, #tpu.memory_space<vmem>>) target_semaphore(%run_scoped3A : memref<!tpu.dma_semaphore, #tpu.memory_space<semaphore_mem>>)
      %dma_wait3A_23 = tpu.memref_slice %arg3[%mul3A_6] : memref<4096xf32, #tpu.memory_space<hbm>> -> memref<128xf32, #tpu.memory_space<hbm>>
      %dma_wait3A_24 = tpu.memref_slice %arg3[%mul3A_6] : memref<4096xf32, #tpu.memory_space<hbm>> -> memref<128xf32, #tpu.memory_space<hbm>>
      tpu.wait_dma2 semaphore(%run_scoped3A : memref<!tpu.dma_semaphore, #tpu.memory_space<semaphore_mem>>) src(%dma_wait3A_24 : memref<128xf32, #tpu.memory_space<hbm>>) dst(%arg6 : memref<128xf32, #tpu.memory_space<vmem>>)
      tpu.yield
    }) : () -> ()
    %scan3A = arith.constant 0 : i32
    %scan3A_7 = arith.constant 0 : i32
    %scan3A_8 = arith.constant 32 : i32
    %scan3A_9 = arith.addi %scan3A_7, %scan3A_8 : i32
    %scan3A_10 = arith.constant 1 : i32
    %scan3A_11 = scf.for %scan3A_21 = %scan3A_7 to %scan3A_9 step %scan3A_10 iter_args(%scan3A_22 = %scan3A) -> (i32)  : i32 {
      %mul3A_23 = arith.constant 64 : i32
      %mul3A_24 = arith.muli %scan3A_21, %mul3A_23 : i32
      %multiple_of3A = tpu.assume_multiple %mul3A_24, 64 : i32
      %add3A_25 = arith.constant 0 : i32
      %add3A_26 = arith.addi %multiple_of3A, %add3A_25 : i32
      %get3A = arith.constant 0 : i32
      %get3A_27 = arith.index_cast %get3A : i32 to index
      %get3A_28 = arith.index_cast %add3A_26 : i32 to index
      %get3A_29 = tpu.vector_load %arg5[%get3A_27, %get3A_28] {strides = array<i32>} : memref<8x2048xf32, #tpu.memory_space<vmem>>, vector<1x16xf32>,
      %get3A_30 = vector.shape_cast %get3A_29 : vector<1x16xf32> to vector<16xf32>
      %add3A_31 = arith.constant 16 : i32
      %add3A_32 = arith.addi %multiple_of3A, %add3A_31 : i32
      %get3A_33 = arith.constant 0 : i32
      %get3A_34 = arith.index_cast %get3A_33 : i32 to index
      %get3A_35 = arith.index_cast %add3A_32 : i32 to index
      %get3A_36 = tpu.vector_load %arg5[%get3A_34, %get3A_35] {strides = array<i32>} : memref<8x2048xf32, #tpu.memory_space<vmem>>, vector<1x16xf32>,
      %get3A_37 = vector.shape_cast %get3A_36 : vector<1x16xf32> to vector<16xf32>
      %add3A_38 = arith.constant 32 : i32
      %add3A_39 = arith.addi %multiple_of3A, %add3A_38 : i32
      %get3A_40 = arith.constant 0 : i32
      %get3A_41 = arith.index_cast %get3A_40 : i32 to index
      %get3A_42 = arith.index_cast %add3A_39 : i32 to index
      %get3A_43 = tpu.vector_load %arg5[%get3A_41, %get3A_42] {strides = array<i32>} : memref<8x2048xf32, #tpu.memory_space<vmem>>, vector<1x16xf32>,
      %get3A_44 = vector.shape_cast %get3A_43 : vector<1x16xf32> to vector<16xf32>
      %add3A_45 = arith.constant 48 : i32
      %add3A_46 = arith.addi %multiple_of3A, %add3A_45 : i32
      %get3A_47 = arith.constant 0 : i32
      %get3A_48 = arith.index_cast %get3A_47 : i32 to index
      %get3A_49 = arith.index_cast %add3A_46 : i32 to index
      %get3A_50 = tpu.vector_load %arg5[%get3A_48, %get3A_49] {strides = array<i32>} : memref<8x2048xf32, #tpu.memory_space<vmem>>, vector<1x16xf32>,
      %get3A_51 = vector.shape_cast %get3A_50 : vector<1x16xf32> to vector<16xf32>
      %add3A_52 = arith.constant 0 : i32
      %add3A_53 = arith.addi %multiple_of3A, %add3A_52 : i32
      %get3A_54 = arith.constant 1 : i32
      %get3A_55 = arith.index_cast %get3A_54 : i32 to index
      %get3A_56 = arith.index_cast %add3A_53 : i32 to index
      %get3A_57 = tpu.vector_load %arg5[%get3A_55, %get3A_56] {strides = array<i32>} : memref<8x2048xf32, #tpu.memory_space<vmem>>, vector<1x16xf32>,
      %get3A_58 = vector.shape_cast %get3A_57 : vector<1x16xf32> to vector<16xf32>
      %add3A_59 = arith.constant 16 : i32
      %add3A_60 = arith.addi %multiple_of3A, %add3A_59 : i32
      %get3A_61 = arith.constant 1 : i32
      %get3A_62 = arith.index_cast %get3A_61 : i32 to index
      %get3A_63 = arith.index_cast %add3A_60 : i32 to index
      %get3A_64 = tpu.vector_load %arg5[%get3A_62, %get3A_63] {strides = array<i32>} : memref<8x2048xf32, #tpu.memory_space<vmem>>, vector<1x16xf32>,
      %get3A_65 = vector.shape_cast %get3A_64 : vector<1x16xf32> to vector<16xf32>
      %add3A_66 = arith.constant 32 : i32
      %add3A_67 = arith.addi %multiple_of3A, %add3A_66 : i32
      %get3A_68 = arith.constant 1 : i32
      %get3A_69 = arith.index_cast %get3A_68 : i32 to index
      %get3A_70 = arith.index_cast %add3A_67 : i32 to index
      %get3A_71 = tpu.vector_load %arg5[%get3A_69, %get3A_70] {strides = array<i32>} : memref<8x2048xf32, #tpu.memory_space<vmem>>, vector<1x16xf32>,
      %get3A_72 = vector.shape_cast %get3A_71 : vector<1x16xf32> to vector<16xf32>
      %add3A_73 = arith.constant 48 : i32
      %add3A_74 = arith.addi %multiple_of3A, %add3A_73 : i32
      %get3A_75 = arith.constant 1 : i32
      %get3A_76 = arith.index_cast %get3A_75 : i32 to index
      %get3A_77 = arith.index_cast %add3A_74 : i32 to index
      %get3A_78 = tpu.vector_load %arg5[%get3A_76, %get3A_77] {strides = array<i32>} : memref<8x2048xf32, #tpu.memory_space<vmem>>, vector<1x16xf32>,
      %get3A_79 = vector.shape_cast %get3A_78 : vector<1x16xf32> to vector<16xf32>
      %add3A_80 = arith.constant 0 : i32
      %add3A_81 = arith.addi %multiple_of3A, %add3A_80 : i32
      %get3A_82 = arith.constant 2 : i32
      %get3A_83 = arith.index_cast %get3A_82 : i32 to index
      %get3A_84 = arith.index_cast %add3A_81 : i32 to index
      %get3A_85 = tpu.vector_load %arg5[%get3A_83, %get3A_84] {strides = array<i32>} : memref<8x2048xf32, #tpu.memory_space<vmem>>, vector<1x16xf32>,
      %get3A_86 = vector.shape_cast %get3A_85 : vector<1x16xf32> to vector<16xf32>
      %add3A_87 = arith.constant 16 : i32
      %add3A_88 = arith.addi %multiple_of3A, %add3A_87 : i32
      %get3A_89 = arith.constant 2 : i32
      %get3A_90 = arith.index_cast %get3A_89 : i32 to index
      %get3A_91 = arith.index_cast %add3A_88 : i32 to index
      %get3A_92 = tpu.vector_load %arg5[%get3A_90, %get3A_91] {strides = array<i32>} : memref<8x2048xf32, #tpu.memory_space<vmem>>, vector<1x16xf32>,
      %get3A_93 = vector.shape_cast %get3A_92 : vector<1x16xf32> to vector<16xf32>
      %add3A_94 = arith.constant 32 : i32
      %add3A_95 = arith.addi %multiple_of3A, %add3A_94 : i32
      %get3A_96 = arith.constant 2 : i32
      %get3A_97 = arith.index_cast %get3A_96 : i32 to index
      %get3A_98 = arith.index_cast %add3A_95 : i32 to index
      %get3A_99 = tpu.vector_load %arg5[%get3A_97, %get3A_98] {strides = array<i32>} : memref<8x2048xf32, #tpu.memory_space<vmem>>, vector<1x16xf32>,
      %get3A_100 = vector.shape_cast %get3A_99 : vector<1x16xf32> to vector<16xf32>
      %add3A_101 = arith.constant 48 : i32
      %add3A_102 = arith.addi %multiple_of3A, %add3A_101 : i32
      %get3A_103 = arith.constant 2 : i32
      %get3A_104 = arith.index_cast %get3A_103 : i32 to index
      %get3A_105 = arith.index_cast %add3A_102 : i32 to index
      %get3A_106 = tpu.vector_load %arg5[%get3A_104, %get3A_105] {strides = array<i32>} : memref<8x2048xf32, #tpu.memory_space<vmem>>, vector<1x16xf32>,
      %get3A_107 = vector.shape_cast %get3A_106 : vector<1x16xf32> to vector<16xf32>
      %add3A_108 = arith.constant 0 : i32
      %add3A_109 = arith.addi %multiple_of3A, %add3A_108 : i32
      %get3A_110 = arith.constant 3 : i32
      %get3A_111 = arith.index_cast %get3A_110 : i32 to index
      %get3A_112 = arith.index_cast %add3A_109 : i32 to index
      %get3A_113 = tpu.vector_load %arg5[%get3A_111, %get3A_112] {strides = array<i32>} : memref<8x2048xf32, #tpu.memory_space<vmem>>, vector<1x16xf32>,
      %get3A_114 = vector.shape_cast %get3A_113 : vector<1x16xf32> to vector<16xf32>
      %add3A_115 = arith.constant 16 : i32
      %add3A_116 = arith.addi %multiple_of3A, %add3A_115 : i32
      %get3A_117 = arith.constant 3 : i32
      %get3A_118 = arith.index_cast %get3A_117 : i32 to index
      %get3A_119 = arith.index_cast %add3A_116 : i32 to index
      %get3A_120 = tpu.vector_load %arg5[%get3A_118, %get3A_119] {strides = array<i32>} : memref<8x2048xf32, #tpu.memory_space<vmem>>, vector<1x16xf32>,
      %get3A_121 = vector.shape_cast %get3A_120 : vector<1x16xf32> to vector<16xf32>
      %add3A_122 = arith.constant 32 : i32
      %add3A_123 = arith.addi %multiple_of3A, %add3A_122 : i32
      %get3A_124 = arith.constant 3 : i32
      %get3A_125 = arith.index_cast %get3A_124 : i32 to index
      %get3A_126 = arith.index_cast %add3A_123 : i32 to index
      %get3A_127 = tpu.vector_load %arg5[%get3A_125, %get3A_126] {strides = array<i32>} : memref<8x2048xf32, #tpu.memory_space<vmem>>, vector<1x16xf32>,
      %get3A_128 = vector.shape_cast %get3A_127 : vector<1x16xf32> to vector<16xf32>
      %add3A_129 = arith.constant 48 : i32
      %add3A_130 = arith.addi %multiple_of3A, %add3A_129 : i32
      %get3A_131 = arith.constant 3 : i32
      %get3A_132 = arith.index_cast %get3A_131 : i32 to index
      %get3A_133 = arith.index_cast %add3A_130 : i32 to index
      %get3A_134 = tpu.vector_load %arg5[%get3A_132, %get3A_133] {strides = array<i32>} : memref<8x2048xf32, #tpu.memory_space<vmem>>, vector<1x16xf32>,
      %get3A_135 = vector.shape_cast %get3A_134 : vector<1x16xf32> to vector<16xf32>
      %add3A_136 = arith.constant 0 : i32
      %add3A_137 = arith.addi %multiple_of3A, %add3A_136 : i32
      %get3A_138 = arith.constant 4 : i32
      %get3A_139 = arith.index_cast %get3A_138 : i32 to index
      %get3A_140 = arith.index_cast %add3A_137 : i32 to index
      %get3A_141 = tpu.vector_load %arg5[%get3A_139, %get3A_140] {strides = array<i32>} : memref<8x2048xf32, #tpu.memory_space<vmem>>, vector<1x16xf32>,
      %get3A_142 = vector.shape_cast %get3A_141 : vector<1x16xf32> to vector<16xf32>
      %add3A_143 = arith.constant 16 : i32
      %add3A_144 = arith.addi %multiple_of3A, %add3A_143 : i32
      %get3A_145 = arith.constant 4 : i32
      %get3A_146 = arith.index_cast %get3A_145 : i32 to index
      %get3A_147 = arith.index_cast %add3A_144 : i32 to index
      %get3A_148 = tpu.vector_load %arg5[%get3A_146, %get3A_147] {strides = array<i32>} : memref<8x2048xf32, #tpu.memory_space<vmem>>, vector<1x16xf32>,
      %get3A_149 = vector.shape_cast %get3A_148 : vector<1x16xf32> to vector<16xf32>
      %add3A_150 = arith.constant 32 : i32
      %add3A_151 = arith.addi %multiple_of3A, %add3A_150 : i32
      %get3A_152 = arith.constant 4 : i32
      %get3A_153 = arith.index_cast %get3A_152 : i32 to index
      %get3A_154 = arith.index_cast %add3A_151 : i32 to index
      %get3A_155 = tpu.vector_load %arg5[%get3A_153, %get3A_154] {strides = array<i32>} : memref<8x2048xf32, #tpu.memory_space<vmem>>, vector<1x16xf32>,
      %get3A_156 = vector.shape_cast %get3A_155 : vector<1x16xf32> to vector<16xf32>
      %add3A_157 = arith.constant 48 : i32
      %add3A_158 = arith.addi %multiple_of3A, %add3A_157 : i32
      %get3A_159 = arith.constant 4 : i32
      %get3A_160 = arith.index_cast %get3A_159 : i32 to index
      %get3A_161 = arith.index_cast %add3A_158 : i32 to index
      %get3A_162 = tpu.vector_load %arg5[%get3A_160, %get3A_161] {strides = array<i32>} : memref<8x2048xf32, #tpu.memory_space<vmem>>, vector<1x16xf32>,
      %get3A_163 = vector.shape_cast %get3A_162 : vector<1x16xf32> to vector<16xf32>
      %add3A_164 = arith.constant 0 : i32
      %add3A_165 = arith.addi %multiple_of3A, %add3A_164 : i32
      %get3A_166 = arith.constant 5 : i32
      %get3A_167 = arith.index_cast %get3A_166 : i32 to index
      %get3A_168 = arith.index_cast %add3A_165 : i32 to index
      %get3A_169 = tpu.vector_load %arg5[%get3A_167, %get3A_168] {strides = array<i32>} : memref<8x2048xf32, #tpu.memory_space<vmem>>, vector<1x16xf32>,
      %get3A_170 = vector.shape_cast %get3A_169 : vector<1x16xf32> to vector<16xf32>
      %add3A_171 = arith.constant 16 : i32
      %add3A_172 = arith.addi %multiple_of3A, %add3A_171 : i32
      %get3A_173 = arith.constant 5 : i32
      %get3A_174 = arith.index_cast %get3A_173 : i32 to index
      %get3A_175 = arith.index_cast %add3A_172 : i32 to index
      %get3A_176 = tpu.vector_load %arg5[%get3A_174, %get3A_175] {strides = array<i32>} : memref<8x2048xf32, #tpu.memory_space<vmem>>, vector<1x16xf32>,
      %get3A_177 = vector.shape_cast %get3A_176 : vector<1x16xf32> to vector<16xf32>
      %add3A_178 = arith.constant 32 : i32
      %add3A_179 = arith.addi %multiple_of3A, %add3A_178 : i32
      %get3A_180 = arith.constant 5 : i32
      %get3A_181 = arith.index_cast %get3A_180 : i32 to index
      %get3A_182 = arith.index_cast %add3A_179 : i32 to index
      %get3A_183 = tpu.vector_load %arg5[%get3A_181, %get3A_182] {strides = array<i32>} : memref<8x2048xf32, #tpu.memory_space<vmem>>, vector<1x16xf32>,
      %get3A_184 = vector.shape_cast %get3A_183 : vector<1x16xf32> to vector<16xf32>
      %add3A_185 = arith.constant 48 : i32
      %add3A_186 = arith.addi %multiple_of3A, %add3A_185 : i32
      %get3A_187 = arith.constant 5 : i32
      %get3A_188 = arith.index_cast %get3A_187 : i32 to index
      %get3A_189 = arith.index_cast %add3A_186 : i32 to index
      %get3A_190 = tpu.vector_load %arg5[%get3A_188, %get3A_189] {strides = array<i32>} : memref<8x2048xf32, #tpu.memory_space<vmem>>, vector<1x16xf32>,
      %get3A_191 = vector.shape_cast %get3A_190 : vector<1x16xf32> to vector<16xf32>
      %add3A_192 = arith.constant 0 : i32
      %add3A_193 = arith.addi %multiple_of3A, %add3A_192 : i32
      %get3A_194 = arith.constant 6 : i32
      %get3A_195 = arith.index_cast %get3A_194 : i32 to index
      %get3A_196 = arith.index_cast %add3A_193 : i32 to index
      %get3A_197 = tpu.vector_load %arg5[%get3A_195, %get3A_196] {strides = array<i32>} : memref<8x2048xf32, #tpu.memory_space<vmem>>, vector<1x16xf32>,
      %get3A_198 = vector.shape_cast %get3A_197 : vector<1x16xf32> to vector<16xf32>
      %add3A_199 = arith.constant 16 : i32
      %add3A_200 = arith.addi %multiple_of3A, %add3A_199 : i32
      %get3A_201 = arith.constant 6 : i32
      %get3A_202 = arith.index_cast %get3A_201 : i32 to index
      %get3A_203 = arith.index_cast %add3A_200 : i32 to index
      %get3A_204 = tpu.vector_load %arg5[%get3A_202, %get3A_203] {strides = array<i32>} : memref<8x2048xf32, #tpu.memory_space<vmem>>, vector<1x16xf32>,
      %get3A_205 = vector.shape_cast %get3A_204 : vector<1x16xf32> to vector<16xf32>
      %add3A_206 = arith.constant 32 : i32
      %add3A_207 = arith.addi %multiple_of3A, %add3A_206 : i32
      %get3A_208 = arith.constant 6 : i32
      %get3A_209 = arith.index_cast %get3A_208 : i32 to index
      %get3A_210 = arith.index_cast %add3A_207 : i32 to index
      %get3A_211 = tpu.vector_load %arg5[%get3A_209, %get3A_210] {strides = array<i32>} : memref<8x2048xf32, #tpu.memory_space<vmem>>, vector<1x16xf32>,
      %get3A_212 = vector.shape_cast %get3A_211 : vector<1x16xf32> to vector<16xf32>
      %add3A_213 = arith.constant 48 : i32
      %add3A_214 = arith.addi %multiple_of3A, %add3A_213 : i32
      %get3A_215 = arith.constant 6 : i32
      %get3A_216 = arith.index_cast %get3A_215 : i32 to index
      %get3A_217 = arith.index_cast %add3A_214 : i32 to index
      %get3A_218 = tpu.vector_load %arg5[%get3A_216, %get3A_217] {strides = array<i32>} : memref<8x2048xf32, #tpu.memory_space<vmem>>, vector<1x16xf32>,
      %get3A_219 = vector.shape_cast %get3A_218 : vector<1x16xf32> to vector<16xf32>
      %add3A_220 = arith.constant 0 : i32
      %add3A_221 = arith.addi %multiple_of3A, %add3A_220 : i32
      %get3A_222 = arith.constant 7 : i32
      %get3A_223 = arith.index_cast %get3A_222 : i32 to index
      %get3A_224 = arith.index_cast %add3A_221 : i32 to index
      %get3A_225 = tpu.vector_load %arg5[%get3A_223, %get3A_224] {strides = array<i32>} : memref<8x2048xf32, #tpu.memory_space<vmem>>, vector<1x16xf32>,
      %get3A_226 = vector.shape_cast %get3A_225 : vector<1x16xf32> to vector<16xf32>
      %add3A_227 = arith.constant 16 : i32
      %add3A_228 = arith.addi %multiple_of3A, %add3A_227 : i32
      %get3A_229 = arith.constant 7 : i32
      %get3A_230 = arith.index_cast %get3A_229 : i32 to index
      %get3A_231 = arith.index_cast %add3A_228 : i32 to index
      %get3A_232 = tpu.vector_load %arg5[%get3A_230, %get3A_231] {strides = array<i32>} : memref<8x2048xf32, #tpu.memory_space<vmem>>, vector<1x16xf32>,
      %get3A_233 = vector.shape_cast %get3A_232 : vector<1x16xf32> to vector<16xf32>
      %add3A_234 = arith.constant 32 : i32
      %add3A_235 = arith.addi %multiple_of3A, %add3A_234 : i32
      %get3A_236 = arith.constant 7 : i32
      %get3A_237 = arith.index_cast %get3A_236 : i32 to index
      %get3A_238 = arith.index_cast %add3A_235 : i32 to index
      %get3A_239 = tpu.vector_load %arg5[%get3A_237, %get3A_238] {strides = array<i32>} : memref<8x2048xf32, #tpu.memory_space<vmem>>, vector<1x16xf32>,
      %get3A_240 = vector.shape_cast %get3A_239 : vector<1x16xf32> to vector<16xf32>
      %add3A_241 = arith.constant 48 : i32
      %add3A_242 = arith.addi %multiple_of3A, %add3A_241 : i32
      %get3A_243 = arith.constant 7 : i32
      %get3A_244 = arith.index_cast %get3A_243 : i32 to index
      %get3A_245 = arith.index_cast %add3A_242 : i32 to index
      %get3A_246 = tpu.vector_load %arg5[%get3A_244, %get3A_245] {strides = array<i32>} : memref<8x2048xf32, #tpu.memory_space<vmem>>, vector<1x16xf32>,
      %get3A_247 = vector.shape_cast %get3A_246 : vector<1x16xf32> to vector<16xf32>
      %scan3A_248 = arith.constant 0 : i32
      %scan3A_249 = arith.constant 0 : i32
      %scan3A_250 = arith.constant 8 : i32
      %scan3A_251 = arith.addi %scan3A_249, %scan3A_250 : i32
      %scan3A_252 = arith.constant 1 : i32
      %scan3A_253 = scf.for %scan3A_256 = %scan3A_249 to %scan3A_251 step %scan3A_252 iter_args(%scan3A_257 = %scan3A_248) -> (i32)  : i32 {
        %mul3A_258 = arith.constant 2 : i32
        %mul3A_259 = arith.muli %mul3A_258, %scan3A_256 : i32
        %add3A_260 = arith.constant 0 : i32
        %add3A_261 = arith.addi %add3A_260, %mul3A_259 : i32
        %mul3A_262 = arith.constant 8 : i32
        %mul3A_263 = arith.muli %add3A_261, %mul3A_262 : i32
        %multiple_of3A_264 = tpu.assume_multiple %mul3A_263, 16 : i32
        %get3A_265 = arith.index_cast %multiple_of3A_264 : i32 to index
        %get3A_266 = tpu.vector_load %arg6[%get3A_265] {strides = array<i32>} : memref<128xf32, #tpu.memory_space<vmem>>, vector<16xf32>,
        %get3A_267 = vector.shape_cast %get3A_266 : vector<16xf32> to vector<16xf32>
        %broadcast_in_dim3A = arith.constant 0 : i32
        %broadcast_in_dim3A_268 = vector.broadcast %broadcast_in_dim3A : i32 to vector<16x1xi32>
        %gather3A = vector.shape_cast %broadcast_in_dim3A_268 : vector<16x1xi32> to vector<16xi32>
        %gather3A_269 = tpu.dynamic_gather %get3A_267[%gather3A] in [0] : vector<16xf32>, vector<16xi32> -> vector<16xf32>
        %broadcast_in_dim3A_270 = arith.constant 1 : i32
        %broadcast_in_dim3A_271 = vector.broadcast %broadcast_in_dim3A_270 : i32 to vector<16x1xi32>
        %gather3A_272 = vector.shape_cast %broadcast_in_dim3A_271 : vector<16x1xi32> to vector<16xi32>
        %gather3A_273 = tpu.dynamic_gather %get3A_267[%gather3A_272] in [0] : vector<16xf32>, vector<16xi32> -> vector<16xf32>
        %broadcast_in_dim3A_274 = arith.constant 2 : i32
        %broadcast_in_dim3A_275 = vector.broadcast %broadcast_in_dim3A_274 : i32 to vector<16x1xi32>
        %gather3A_276 = vector.shape_cast %broadcast_in_dim3A_275 : vector<16x1xi32> to vector<16xi32>
        %gather3A_277 = tpu.dynamic_gather %get3A_267[%gather3A_276] in [0] : vector<16xf32>, vector<16xi32> -> vector<16xf32>
        %broadcast_in_dim3A_278 = arith.constant 3 : i32
        %broadcast_in_dim3A_279 = vector.broadcast %broadcast_in_dim3A_278 : i32 to vector<16x1xi32>
        %gather3A_280 = vector.shape_cast %broadcast_in_dim3A_279 : vector<16x1xi32> to vector<16xi32>
        %gather3A_281 = tpu.dynamic_gather %get3A_267[%gather3A_280] in [0] : vector<16xf32>, vector<16xi32> -> vector<16xf32>
        %broadcast_in_dim3A_282 = arith.constant 4 : i32
        %broadcast_in_dim3A_283 = vector.broadcast %broadcast_in_dim3A_282 : i32 to vector<16x1xi32>
        %gather3A_284 = vector.shape_cast %broadcast_in_dim3A_283 : vector<16x1xi32> to vector<16xi32>
        %gather3A_285 = tpu.dynamic_gather %get3A_267[%gather3A_284] in [0] : vector<16xf32>, vector<16xi32> -> vector<16xf32>
        %broadcast_in_dim3A_286 = arith.constant 5 : i32
        %broadcast_in_dim3A_287 = vector.broadcast %broadcast_in_dim3A_286 : i32 to vector<16x1xi32>
        %gather3A_288 = vector.shape_cast %broadcast_in_dim3A_287 : vector<16x1xi32> to vector<16xi32>
        %gather3A_289 = tpu.dynamic_gather %get3A_267[%gather3A_288] in [0] : vector<16xf32>, vector<16xi32> -> vector<16xf32>
        %broadcast_in_dim3A_290 = arith.constant 6 : i32
        %broadcast_in_dim3A_291 = vector.broadcast %broadcast_in_dim3A_290 : i32 to vector<16x1xi32>
        %gather3A_292 = vector.shape_cast %broadcast_in_dim3A_291 : vector<16x1xi32> to vector<16xi32>
        %gather3A_293 = tpu.dynamic_gather %get3A_267[%gather3A_292] in [0] : vector<16xf32>, vector<16xi32> -> vector<16xf32>
        %broadcast_in_dim3A_294 = arith.constant 7 : i32
        %broadcast_in_dim3A_295 = vector.broadcast %broadcast_in_dim3A_294 : i32 to vector<16x1xi32>
        %gather3A_296 = vector.shape_cast %broadcast_in_dim3A_295 : vector<16x1xi32> to vector<16xi32>
        %gather3A_297 = tpu.dynamic_gather %get3A_267[%gather3A_296] in [0] : vector<16xf32>, vector<16xi32> -> vector<16xf32>
        %mul3A_298 = arith.mulf %gather3A_269, %get3A_30 : vector<16xf32>
        %mul3A_299 = arith.mulf %gather3A_273, %get3A_58 : vector<16xf32>
        %mul3A_300 = arith.mulf %gather3A_277, %get3A_86 : vector<16xf32>
        %mul3A_301 = arith.mulf %gather3A_281, %get3A_114 : vector<16xf32>
        %mul3A_302 = arith.mulf %gather3A_285, %get3A_142 : vector<16xf32>
        %mul3A_303 = arith.mulf %gather3A_289, %get3A_170 : vector<16xf32>
        %mul3A_304 = arith.mulf %gather3A_293, %get3A_198 : vector<16xf32>
        %mul3A_305 = arith.mulf %gather3A_297, %get3A_226 : vector<16xf32>
        %add3A_306 = arith.addf %mul3A_298, %mul3A_299 : vector<16xf32>
        %add3A_307 = arith.addf %mul3A_300, %mul3A_301 : vector<16xf32>
        %add3A_308 = arith.addf %mul3A_302, %mul3A_303 : vector<16xf32>
        %add3A_309 = arith.addf %mul3A_304, %mul3A_305 : vector<16xf32>
        %add3A_310 = arith.addf %add3A_306, %add3A_307 : vector<16xf32>
        %add3A_311 = arith.addf %add3A_308, %add3A_309 : vector<16xf32>
        %add3A_312 = arith.addf %add3A_310, %add3A_311 : vector<16xf32>
        %mul3A_313 = arith.constant 2 : i32
        %mul3A_314 = arith.muli %mul3A_313, %scan3A_256 : i32
        %add3A_315 = arith.constant 0 : i32
        %add3A_316 = arith.addi %mul3A_314, %add3A_315 : i32
        %add3A_317 = arith.constant 0 : i32
        %add3A_318 = arith.addi %multiple_of3A, %add3A_317 : i32
        %swap3A = arith.index_cast %add3A_316 : i32 to index
        %swap3A_319 = arith.index_cast %add3A_318 : i32 to index
        %swap3A_320 = tpu.vector_load %arg7[%swap3A, %swap3A_319] {strides = array<i32>} : memref<16x2048xf32, #tpu.memory_space<vmem>>, vector<1x16xf32>,
        %swap3A_321 = vector.shape_cast %swap3A_320 : vector<1x16xf32> to vector<16xf32>
        %swap3A_322 = vector.shape_cast %add3A_312 : vector<16xf32> to vector<1x16xf32>
        tpu.vector_store %arg7[%swap3A, %swap3A_319], %swap3A_322 {strides = array<i32>} : memref<16x2048xf32, #tpu.memory_space<vmem>>, vector<1x16xf32>,
        %mul3A_323 = arith.mulf %gather3A_269, %get3A_37 : vector<16xf32>
        %mul3A_324 = arith.mulf %gather3A_273, %get3A_65 : vector<16xf32>
        %mul3A_325 = arith.mulf %gather3A_277, %get3A_93 : vector<16xf32>
        %mul3A_326 = arith.mulf %gather3A_281, %get3A_121 : vector<16xf32>
        %mul3A_327 = arith.mulf %gather3A_285, %get3A_149 : vector<16xf32>
        %mul3A_328 = arith.mulf %gather3A_289, %get3A_177 : vector<16xf32>
        %mul3A_329 = arith.mulf %gather3A_293, %get3A_205 : vector<16xf32>
        %mul3A_330 = arith.mulf %gather3A_297, %get3A_233 : vector<16xf32>
        %add3A_331 = arith.addf %mul3A_323, %mul3A_324 : vector<16xf32>
        %add3A_332 = arith.addf %mul3A_325, %mul3A_326 : vector<16xf32>
        %add3A_333 = arith.addf %mul3A_327, %mul3A_328 : vector<16xf32>
        %add3A_334 = arith.addf %mul3A_329, %mul3A_330 : vector<16xf32>
        %add3A_335 = arith.addf %add3A_331, %add3A_332 : vector<16xf32>
        %add3A_336 = arith.addf %add3A_333, %add3A_334 : vector<16xf32>
        %add3A_337 = arith.addf %add3A_335, %add3A_336 : vector<16xf32>
        %mul3A_338 = arith.constant 2 : i32
        %mul3A_339 = arith.muli %mul3A_338, %scan3A_256 : i32
        %add3A_340 = arith.constant 0 : i32
        %add3A_341 = arith.addi %mul3A_339, %add3A_340 : i32
        %add3A_342 = arith.constant 16 : i32
        %add3A_343 = arith.addi %multiple_of3A, %add3A_342 : i32
        %swap3A_344 = arith.index_cast %add3A_341 : i32 to index
        %swap3A_345 = arith.index_cast %add3A_343 : i32 to index
        %swap3A_346 = tpu.vector_load %arg7[%swap3A_344, %swap3A_345] {strides = array<i32>} : memref<16x2048xf32, #tpu.memory_space<vmem>>, vector<1x16xf32>,
        %swap3A_347 = vector.shape_cast %swap3A_346 : vector<1x16xf32> to vector<16xf32>
        %swap3A_348 = vector.shape_cast %add3A_337 : vector<16xf32> to vector<1x16xf32>
        tpu.vector_store %arg7[%swap3A_344, %swap3A_345], %swap3A_348 {strides = array<i32>} : memref<16x2048xf32, #tpu.memory_space<vmem>>, vector<1x16xf32>,
        %mul3A_349 = arith.mulf %gather3A_269, %get3A_44 : vector<16xf32>
        %mul3A_350 = arith.mulf %gather3A_273, %get3A_72 : vector<16xf32>
        %mul3A_351 = arith.mulf %gather3A_277, %get3A_100 : vector<16xf32>
        %mul3A_352 = arith.mulf %gather3A_281, %get3A_128 : vector<16xf32>
        %mul3A_353 = arith.mulf %gather3A_285, %get3A_156 : vector<16xf32>
        %mul3A_354 = arith.mulf %gather3A_289, %get3A_184 : vector<16xf32>
        %mul3A_355 = arith.mulf %gather3A_293, %get3A_212 : vector<16xf32>
        %mul3A_356 = arith.mulf %gather3A_297, %get3A_240 : vector<16xf32>
        %add3A_357 = arith.addf %mul3A_349, %mul3A_350 : vector<16xf32>
        %add3A_358 = arith.addf %mul3A_351, %mul3A_352 : vector<16xf32>
        %add3A_359 = arith.addf %mul3A_353, %mul3A_354 : vector<16xf32>
        %add3A_360 = arith.addf %mul3A_355, %mul3A_356 : vector<16xf32>
        %add3A_361 = arith.addf %add3A_357, %add3A_358 : vector<16xf32>
        %add3A_362 = arith.addf %add3A_359, %add3A_360 : vector<16xf32>
        %add3A_363 = arith.addf %add3A_361, %add3A_362 : vector<16xf32>
        %mul3A_364 = arith.constant 2 : i32
        %mul3A_365 = arith.muli %mul3A_364, %scan3A_256 : i32
        %add3A_366 = arith.constant 0 : i32
        %add3A_367 = arith.addi %mul3A_365, %add3A_366 : i32
        %add3A_368 = arith.constant 32 : i32
        %add3A_369 = arith.addi %multiple_of3A, %add3A_368 : i32
        %swap3A_370 = arith.index_cast %add3A_367 : i32 to index
        %swap3A_371 = arith.index_cast %add3A_369 : i32 to index
        %swap3A_372 = tpu.vector_load %arg7[%swap3A_370, %swap3A_371] {strides = array<i32>} : memref<16x2048xf32, #tpu.memory_space<vmem>>, vector<1x16xf32>,
        %swap3A_373 = vector.shape_cast %swap3A_372 : vector<1x16xf32> to vector<16xf32>
        %swap3A_374 = vector.shape_cast %add3A_363 : vector<16xf32> to vector<1x16xf32>
        tpu.vector_store %arg7[%swap3A_370, %swap3A_371], %swap3A_374 {strides = array<i32>} : memref<16x2048xf32, #tpu.memory_space<vmem>>, vector<1x16xf32>,
        %mul3A_375 = arith.mulf %gather3A_269, %get3A_51 : vector<16xf32>
        %mul3A_376 = arith.mulf %gather3A_273, %get3A_79 : vector<16xf32>
        %mul3A_377 = arith.mulf %gather3A_277, %get3A_107 : vector<16xf32>
        %mul3A_378 = arith.mulf %gather3A_281, %get3A_135 : vector<16xf32>
        %mul3A_379 = arith.mulf %gather3A_285, %get3A_163 : vector<16xf32>
        %mul3A_380 = arith.mulf %gather3A_289, %get3A_191 : vector<16xf32>
        %mul3A_381 = arith.mulf %gather3A_293, %get3A_219 : vector<16xf32>
        %mul3A_382 = arith.mulf %gather3A_297, %get3A_247 : vector<16xf32>
        %add3A_383 = arith.addf %mul3A_375, %mul3A_376 : vector<16xf32>
        %add3A_384 = arith.addf %mul3A_377, %mul3A_378 : vector<16xf32>
        %add3A_385 = arith.addf %mul3A_379, %mul3A_380 : vector<16xf32>
        %add3A_386 = arith.addf %mul3A_381, %mul3A_382 : vector<16xf32>
        %add3A_387 = arith.addf %add3A_383, %add3A_384 : vector<16xf32>
        %add3A_388 = arith.addf %add3A_385, %add3A_386 : vector<16xf32>
        %add3A_389 = arith.addf %add3A_387, %add3A_388 : vector<16xf32>
        %mul3A_390 = arith.constant 2 : i32
        %mul3A_391 = arith.muli %mul3A_390, %scan3A_256 : i32
        %add3A_392 = arith.constant 0 : i32
        %add3A_393 = arith.addi %mul3A_391, %add3A_392 : i32
        %add3A_394 = arith.constant 48 : i32
        %add3A_395 = arith.addi %multiple_of3A, %add3A_394 : i32
        %swap3A_396 = arith.index_cast %add3A_393 : i32 to index
        %swap3A_397 = arith.index_cast %add3A_395 : i32 to index
        %swap3A_398 = tpu.vector_load %arg7[%swap3A_396, %swap3A_397] {strides = array<i32>} : memref<16x2048xf32, #tpu.memory_space<vmem>>, vector<1x16xf32>,
        %swap3A_399 = vector.shape_cast %swap3A_398 : vector<1x16xf32> to vector<16xf32>
        %swap3A_400 = vector.shape_cast %add3A_389 : vector<16xf32> to vector<1x16xf32>
        tpu.vector_store %arg7[%swap3A_396, %swap3A_397], %swap3A_400 {strides = array<i32>} : memref<16x2048xf32, #tpu.memory_space<vmem>>, vector<1x16xf32>,
        %broadcast_in_dim3A_401 = arith.constant 8 : i32
        %broadcast_in_dim3A_402 = vector.broadcast %broadcast_in_dim3A_401 : i32 to vector<16x1xi32>
        %gather3A_403 = vector.shape_cast %broadcast_in_dim3A_402 : vector<16x1xi32> to vector<16xi32>
        %gather3A_404 = tpu.dynamic_gather %get3A_267[%gather3A_403] in [0] : vector<16xf32>, vector<16xi32> -> vector<16xf32>
        %broadcast_in_dim3A_405 = arith.constant 9 : i32
        %broadcast_in_dim3A_406 = vector.broadcast %broadcast_in_dim3A_405 : i32 to vector<16x1xi32>
        %gather3A_407 = vector.shape_cast %broadcast_in_dim3A_406 : vector<16x1xi32> to vector<16xi32>
        %gather3A_408 = tpu.dynamic_gather %get3A_267[%gather3A_407] in [0] : vector<16xf32>, vector<16xi32> -> vector<16xf32>
        %broadcast_in_dim3A_409 = arith.constant 10 : i32
        %broadcast_in_dim3A_410 = vector.broadcast %broadcast_in_dim3A_409 : i32 to vector<16x1xi32>
        %gather3A_411 = vector.shape_cast %broadcast_in_dim3A_410 : vector<16x1xi32> to vector<16xi32>
        %gather3A_412 = tpu.dynamic_gather %get3A_267[%gather3A_411] in [0] : vector<16xf32>, vector<16xi32> -> vector<16xf32>
        %broadcast_in_dim3A_413 = arith.constant 11 : i32
        %broadcast_in_dim3A_414 = vector.broadcast %broadcast_in_dim3A_413 : i32 to vector<16x1xi32>
        %gather3A_415 = vector.shape_cast %broadcast_in_dim3A_414 : vector<16x1xi32> to vector<16xi32>
        %gather3A_416 = tpu.dynamic_gather %get3A_267[%gather3A_415] in [0] : vector<16xf32>, vector<16xi32> -> vector<16xf32>
        %broadcast_in_dim3A_417 = arith.constant 12 : i32
        %broadcast_in_dim3A_418 = vector.broadcast %broadcast_in_dim3A_417 : i32 to vector<16x1xi32>
        %gather3A_419 = vector.shape_cast %broadcast_in_dim3A_418 : vector<16x1xi32> to vector<16xi32>
        %gather3A_420 = tpu.dynamic_gather %get3A_267[%gather3A_419] in [0] : vector<16xf32>, vector<16xi32> -> vector<16xf32>
        %broadcast_in_dim3A_421 = arith.constant 13 : i32
        %broadcast_in_dim3A_422 = vector.broadcast %broadcast_in_dim3A_421 : i32 to vector<16x1xi32>
        %gather3A_423 = vector.shape_cast %broadcast_in_dim3A_422 : vector<16x1xi32> to vector<16xi32>
        %gather3A_424 = tpu.dynamic_gather %get3A_267[%gather3A_423] in [0] : vector<16xf32>, vector<16xi32> -> vector<16xf32>
        %broadcast_in_dim3A_425 = arith.constant 14 : i32
        %broadcast_in_dim3A_426 = vector.broadcast %broadcast_in_dim3A_425 : i32 to vector<16x1xi32>
        %gather3A_427 = vector.shape_cast %broadcast_in_dim3A_426 : vector<16x1xi32> to vector<16xi32>
        %gather3A_428 = tpu.dynamic_gather %get3A_267[%gather3A_427] in [0] : vector<16xf32>, vector<16xi32> -> vector<16xf32>
        %broadcast_in_dim3A_429 = arith.constant 15 : i32
        %broadcast_in_dim3A_430 = vector.broadcast %broadcast_in_dim3A_429 : i32 to vector<16x1xi32>
        %gather3A_431 = vector.shape_cast %broadcast_in_dim3A_430 : vector<16x1xi32> to vector<16xi32>
        %gather3A_432 = tpu.dynamic_gather %get3A_267[%gather3A_431] in [0] : vector<16xf32>, vector<16xi32> -> vector<16xf32>
        %mul3A_433 = arith.mulf %gather3A_404, %get3A_30 : vector<16xf32>
        %mul3A_434 = arith.mulf %gather3A_408, %get3A_58 : vector<16xf32>
        %mul3A_435 = arith.mulf %gather3A_412, %get3A_86 : vector<16xf32>
        %mul3A_436 = arith.mulf %gather3A_416, %get3A_114 : vector<16xf32>
        %mul3A_437 = arith.mulf %gather3A_420, %get3A_142 : vector<16xf32>
        %mul3A_438 = arith.mulf %gather3A_424, %get3A_170 : vector<16xf32>
        %mul3A_439 = arith.mulf %gather3A_428, %get3A_198 : vector<16xf32>
        %mul3A_440 = arith.mulf %gather3A_432, %get3A_226 : vector<16xf32>
        %add3A_441 = arith.addf %mul3A_433, %mul3A_434 : vector<16xf32>
        %add3A_442 = arith.addf %mul3A_435, %mul3A_436 : vector<16xf32>
        %add3A_443 = arith.addf %mul3A_437, %mul3A_438 : vector<16xf32>
        %add3A_444 = arith.addf %mul3A_439, %mul3A_440 : vector<16xf32>
        %add3A_445 = arith.addf %add3A_441, %add3A_442 : vector<16xf32>
        %add3A_446 = arith.addf %add3A_443, %add3A_444 : vector<16xf32>
        %add3A_447 = arith.addf %add3A_445, %add3A_446 : vector<16xf32>
        %mul3A_448 = arith.constant 2 : i32
        %mul3A_449 = arith.muli %mul3A_448, %scan3A_256 : i32
        %add3A_450 = arith.constant 1 : i32
        %add3A_451 = arith.addi %mul3A_449, %add3A_450 : i32
        %add3A_452 = arith.constant 0 : i32
        %add3A_453 = arith.addi %multiple_of3A, %add3A_452 : i32
        %swap3A_454 = arith.index_cast %add3A_451 : i32 to index
        %swap3A_455 = arith.index_cast %add3A_453 : i32 to index
        %swap3A_456 = tpu.vector_load %arg7[%swap3A_454, %swap3A_455] {strides = array<i32>} : memref<16x2048xf32, #tpu.memory_space<vmem>>, vector<1x16xf32>,
        %swap3A_457 = vector.shape_cast %swap3A_456 : vector<1x16xf32> to vector<16xf32>
        %swap3A_458 = vector.shape_cast %add3A_447 : vector<16xf32> to vector<1x16xf32>
        tpu.vector_store %arg7[%swap3A_454, %swap3A_455], %swap3A_458 {strides = array<i32>} : memref<16x2048xf32, #tpu.memory_space<vmem>>, vector<1x16xf32>,
        %mul3A_459 = arith.mulf %gather3A_404, %get3A_37 : vector<16xf32>
        %mul3A_460 = arith.mulf %gather3A_408, %get3A_65 : vector<16xf32>
        %mul3A_461 = arith.mulf %gather3A_412, %get3A_93 : vector<16xf32>
        %mul3A_462 = arith.mulf %gather3A_416, %get3A_121 : vector<16xf32>
        %mul3A_463 = arith.mulf %gather3A_420, %get3A_149 : vector<16xf32>
        %mul3A_464 = arith.mulf %gather3A_424, %get3A_177 : vector<16xf32>
        %mul3A_465 = arith.mulf %gather3A_428, %get3A_205 : vector<16xf32>
        %mul3A_466 = arith.mulf %gather3A_432, %get3A_233 : vector<16xf32>
        %add3A_467 = arith.addf %mul3A_459, %mul3A_460 : vector<16xf32>
        %add3A_468 = arith.addf %mul3A_461, %mul3A_462 : vector<16xf32>
        %add3A_469 = arith.addf %mul3A_463, %mul3A_464 : vector<16xf32>
        %add3A_470 = arith.addf %mul3A_465, %mul3A_466 : vector<16xf32>
        %add3A_471 = arith.addf %add3A_467, %add3A_468 : vector<16xf32>
        %add3A_472 = arith.addf %add3A_469, %add3A_470 : vector<16xf32>
        %add3A_473 = arith.addf %add3A_471, %add3A_472 : vector<16xf32>
        %mul3A_474 = arith.constant 2 : i32
        %mul3A_475 = arith.muli %mul3A_474, %scan3A_256 : i32
        %add3A_476 = arith.constant 1 : i32
        %add3A_477 = arith.addi %mul3A_475, %add3A_476 : i32
        %add3A_478 = arith.constant 16 : i32
        %add3A_479 = arith.addi %multiple_of3A, %add3A_478 : i32
        %swap3A_480 = arith.index_cast %add3A_477 : i32 to index
        %swap3A_481 = arith.index_cast %add3A_479 : i32 to index
        %swap3A_482 = tpu.vector_load %arg7[%swap3A_480, %swap3A_481] {strides = array<i32>} : memref<16x2048xf32, #tpu.memory_space<vmem>>, vector<1x16xf32>,
        %swap3A_483 = vector.shape_cast %swap3A_482 : vector<1x16xf32> to vector<16xf32>
        %swap3A_484 = vector.shape_cast %add3A_473 : vector<16xf32> to vector<1x16xf32>
        tpu.vector_store %arg7[%swap3A_480, %swap3A_481], %swap3A_484 {strides = array<i32>} : memref<16x2048xf32, #tpu.memory_space<vmem>>, vector<1x16xf32>,
        %mul3A_485 = arith.mulf %gather3A_404, %get3A_44 : vector<16xf32>
        %mul3A_486 = arith.mulf %gather3A_408, %get3A_72 : vector<16xf32>
        %mul3A_487 = arith.mulf %gather3A_412, %get3A_100 : vector<16xf32>
        %mul3A_488 = arith.mulf %gather3A_416, %get3A_128 : vector<16xf32>
        %mul3A_489 = arith.mulf %gather3A_420, %get3A_156 : vector<16xf32>
        %mul3A_490 = arith.mulf %gather3A_424, %get3A_184 : vector<16xf32>
        %mul3A_491 = arith.mulf %gather3A_428, %get3A_212 : vector<16xf32>
        %mul3A_492 = arith.mulf %gather3A_432, %get3A_240 : vector<16xf32>
        %add3A_493 = arith.addf %mul3A_485, %mul3A_486 : vector<16xf32>
        %add3A_494 = arith.addf %mul3A_487, %mul3A_488 : vector<16xf32>
        %add3A_495 = arith.addf %mul3A_489, %mul3A_490 : vector<16xf32>
        %add3A_496 = arith.addf %mul3A_491, %mul3A_492 : vector<16xf32>
        %add3A_497 = arith.addf %add3A_493, %add3A_494 : vector<16xf32>
        %add3A_498 = arith.addf %add3A_495, %add3A_496 : vector<16xf32>
        %add3A_499 = arith.addf %add3A_497, %add3A_498 : vector<16xf32>
        %mul3A_500 = arith.constant 2 : i32
        %mul3A_501 = arith.muli %mul3A_500, %scan3A_256 : i32
        %add3A_502 = arith.constant 1 : i32
        %add3A_503 = arith.addi %mul3A_501, %add3A_502 : i32
        %add3A_504 = arith.constant 32 : i32
        %add3A_505 = arith.addi %multiple_of3A, %add3A_504 : i32
        %swap3A_506 = arith.index_cast %add3A_503 : i32 to index
        %swap3A_507 = arith.index_cast %add3A_505 : i32 to index
        %swap3A_508 = tpu.vector_load %arg7[%swap3A_506, %swap3A_507] {strides = array<i32>} : memref<16x2048xf32, #tpu.memory_space<vmem>>, vector<1x16xf32>,
        %swap3A_509 = vector.shape_cast %swap3A_508 : vector<1x16xf32> to vector<16xf32>
        %swap3A_510 = vector.shape_cast %add3A_499 : vector<16xf32> to vector<1x16xf32>
        tpu.vector_store %arg7[%swap3A_506, %swap3A_507], %swap3A_510 {strides = array<i32>} : memref<16x2048xf32, #tpu.memory_space<vmem>>, vector<1x16xf32>,
        %mul3A_511 = arith.mulf %gather3A_404, %get3A_51 : vector<16xf32>
        %mul3A_512 = arith.mulf %gather3A_408, %get3A_79 : vector<16xf32>
        %mul3A_513 = arith.mulf %gather3A_412, %get3A_107 : vector<16xf32>
        %mul3A_514 = arith.mulf %gather3A_416, %get3A_135 : vector<16xf32>
        %mul3A_515 = arith.mulf %gather3A_420, %get3A_163 : vector<16xf32>
        %mul3A_516 = arith.mulf %gather3A_424, %get3A_191 : vector<16xf32>
        %mul3A_517 = arith.mulf %gather3A_428, %get3A_219 : vector<16xf32>
        %mul3A_518 = arith.mulf %gather3A_432, %get3A_247 : vector<16xf32>
        %add3A_519 = arith.addf %mul3A_511, %mul3A_512 : vector<16xf32>
        %add3A_520 = arith.addf %mul3A_513, %mul3A_514 : vector<16xf32>
        %add3A_521 = arith.addf %mul3A_515, %mul3A_516 : vector<16xf32>
        %add3A_522 = arith.addf %mul3A_517, %mul3A_518 : vector<16xf32>
        %add3A_523 = arith.addf %add3A_519, %add3A_520 : vector<16xf32>
        %add3A_524 = arith.addf %add3A_521, %add3A_522 : vector<16xf32>
        %add3A_525 = arith.addf %add3A_523, %add3A_524 : vector<16xf32>
        %mul3A_526 = arith.constant 2 : i32
        %mul3A_527 = arith.muli %mul3A_526, %scan3A_256 : i32
        %add3A_528 = arith.constant 1 : i32
        %add3A_529 = arith.addi %mul3A_527, %add3A_528 : i32
        %add3A_530 = arith.constant 48 : i32
        %add3A_531 = arith.addi %multiple_of3A, %add3A_530 : i32
        %swap3A_532 = arith.index_cast %add3A_529 : i32 to index
        %swap3A_533 = arith.index_cast %add3A_531 : i32 to index
        %swap3A_534 = tpu.vector_load %arg7[%swap3A_532, %swap3A_533] {strides = array<i32>} : memref<16x2048xf32, #tpu.memory_space<vmem>>, vector<1x16xf32>,
        %swap3A_535 = vector.shape_cast %swap3A_534 : vector<1x16xf32> to vector<16xf32>
        %swap3A_536 = vector.shape_cast %add3A_525 : vector<16xf32> to vector<1x16xf32>
        tpu.vector_store %arg7[%swap3A_532, %swap3A_533], %swap3A_536 {strides = array<i32>} : memref<16x2048xf32, #tpu.memory_space<vmem>>, vector<1x16xf32>,
        %scan3A_537 = arith.constant 0 : i32
        scf.yield %scan3A_537 : i32
      }
      %scan3A_254 = arith.constant 8 : i32
      %scan3A_255 = arith.constant 0 : i32
      scf.yield %scan3A_255 : i32
    }
    %scan3A_12 = arith.constant 32 : i32
    %add3A_13 = arith.constant 0 : i32
    %add3A_14 = arith.addi %mul3A_2, %add3A_13 : i32
    %dma_start3A = arith.constant 0 : i32
    %dma_start3A_15 = tpu.memref_slice %arg4[%add3A_14, %dma_start3A] : memref<512x2048xf32, #tpu.memory_space<hbm>> -> memref<16x2048xf32, #tpu.memory_space<hbm>>
    %dma_start3A_16 = arith.constant 0 : i32
    %dma_start3A_17 = tpu.memref_slice %arg4[%add3A_14, %dma_start3A_16] : memref<512x2048xf32, #tpu.memory_space<hbm>> -> memref<16x2048xf32, #tpu.memory_space<hbm>>
    tpu.enqueue_dma source(%arg7 : memref<16x2048xf32, #tpu.memory_space<vmem>>) target(%dma_start3A_17 : memref<16x2048xf32, #tpu.memory_space<hbm>>) target_semaphore(%arg9 : memref<!tpu.dma_semaphore, #tpu.memory_space<semaphore_mem>>)
    %dma_wait3A = arith.constant 0 : i32
    %dma_wait3A_18 = tpu.memref_slice %arg4[%add3A_14, %dma_wait3A] : memref<512x2048xf32, #tpu.memory_space<hbm>> -> memref<16x2048xf32, #tpu.memory_space<hbm>>
    %dma_wait3A_19 = arith.constant 0 : i32
    %dma_wait3A_20 = tpu.memref_slice %arg4[%add3A_14, %dma_wait3A_19] : memref<512x2048xf32, #tpu.memory_space<hbm>> -> memref<16x2048xf32, #tpu.memory_space<hbm>>
    tpu.wait_dma2 semaphore(%arg9 : memref<!tpu.dma_semaphore, #tpu.memory_space<semaphore_mem>>) src(%arg7 : memref<16x2048xf32, #tpu.memory_space<vmem>>) dst(%dma_wait3A_20 : memref<16x2048xf32, #tpu.memory_space<hbm>>)
    return
  }
}

module attributes {stable_mosaic.version = 14 : i64} {
  func.func @_tc_body(%arg0: i32, %arg1: memref<512x8xf32, #tpu.memory_space<vmem>>, %arg2: memref<8x2048xf32, #tpu.memory_space<vmem>>, %arg3: memref<512x2048xf32, #tpu.memory_space<vmem>>) attributes {dimension_semantics = [#tpu.dimension_semantics<arbitrary>], iteration_bounds = array<i64: 7>, scalar_prefetch = 0 : i64, scratch_operands = 0 : i64, tpu.core_type = #tpu.core_type<tc>, window_params = [{transform_indices = @transform_0, window_bounds = array<i64: 512, 8>}, {pipeline_mode = #tpu.pipeline_mode<synchronous>, transform_indices = @transform_1, window_bounds = array<i64: 8, 2048>}, {transform_indices = @transform_2, window_bounds = array<i64: 512, 2048>}]} {
    %get3A = arith.constant 0 : index
    %get3A_0 = arith.constant 0 : index
    %get3A_1 = vector.load %arg1[%get3A, %get3A_0] : memref<512x8xf32, #tpu.memory_space<vmem>>, vector<512x8xf32>
    %get3A_2 = arith.constant 0 : index
    %get3A_3 = arith.constant 0 : index
    %get3A_4 = vector.load %arg2[%get3A_2, %get3A_3] : memref<8x2048xf32, #tpu.memory_space<vmem>>, vector<8x2048xf32>
    %dot_general3A = arith.constant dense<0.000000e+00> : vector<512x2048xf32>
    %dot_general3A_5 = tpu.matmul %get3A_1, %get3A_4, %dot_general3A {dimension_numbers = #tpu.dot_dimension_numbers<[1], [0], [0], [1], [0, 0, 1, 1], [], []>, transpose_lhs_hint = false} : vector<512x8xf32>, vector<8x2048xf32>, vector<512x2048xf32> -> vector<512x2048xf32>
    %swap3A = arith.constant 0 : index
    %swap3A_6 = arith.constant 0 : index
    %swap3A_7 = vector.load %arg3[%swap3A, %swap3A_6] : memref<512x2048xf32, #tpu.memory_space<vmem>>, vector<512x2048xf32>
    tpu.vector_store %arg3[%swap3A, %swap3A_6], %dot_general3A_5 {strides = array<i32>} : memref<512x2048xf32, #tpu.memory_space<vmem>>, vector<512x2048xf32>,
    return
  }
  func.func @transform_0(%arg0: i32) -> (i32, i32) {
    %c0_i32 = arith.constant 0 : i32
    %c0_i32_0 = arith.constant 0 : i32
    return %arg0, %c0_i32 : i32, i32
  }
  func.func @transform_1(%arg0: i32) -> (i32, i32) {
    %c0_i32 = arith.constant 0 : i32
    %c0_i32_0 = arith.constant 0 : i32
    %c0_i32_1 = arith.constant 0 : i32
    return %c0_i32, %c0_i32_0 : i32, i32
  }
  func.func @transform_2(%arg0: i32) -> (i32, i32) {
    %c0_i32 = arith.constant 0 : i32
    %c0_i32_0 = arith.constant 0 : i32
    return %arg0, %c0_i32 : i32, i32
  }
}

</mosaic_0001>

<sc_bundles>
// kernel: kernel.4.cloned.1.call-start
scs
__scs_entry_jumppad:
0x0: {  	(pc) =	sbr.rel $0x88, $3  }
0x1: {  	(tag) =	ssettag $0x0;
	lr =	simm.s32 $0x1  }
0x2: {  	[smem:$0x3F9F] =	sst lr;
	_ =	strace $0xD0000000  }
0x3: {  	_ = 	snop  }
0x4: {  	_ = 	snop  }
0x5: {  	_ = 	snop  }
0x6: {  	_ = 	snop  }
0x7: {  	_ = 	snop  }
__scs_overlays_trampoline_lowered:
0x8: {  	[smem:$0x3FAE] =	sst s0  }
0x9: {  	[smem:$0x3FAF] =	sst s1  }
0xa: {  	[smem:$0x3FB0] =	sst s2  }
0xb: {  	[smem:$0x3FB1] =	sst s3  }
0xc: {  	[smem:$0x3FB2] =	sst s4  }
0xd: {  	[smem:$0x3FB3] =	sst s5  }
0xe: {  	[smem:$0x3FB4] =	sst s6  }
0xf: {  	[smem:$0x3FB5] =	sst s7  }
0x10: {  	[smem:$0x3FB6] =	sst s8  }
0x11: {  	[smem:$0x3FB7] =	sst s9;
	s0 =	simm.s32 @!p0 $0x0  }
0x12: {  	s1 =	sld [smem:$0x3F9D];
	s0 =	simm.s32 @p0 $0x1  }
0x13: {  	[smem:$0x3FB8] =	sst s0;
	s0 =	simm.s32 @!p1 $0x0  }
0x14: {  	s2 =	sld [smem:$0x3F9C];
	s0 =	simm.s32 @p1 $0x1  }
0x15: {  	[smem:$0x3FB9] =	sst s0;
	s0 =	simm.s32 @!p2 $0x0  }
0x16: {  	s3 =	sld [smem:$0x3FDB];
	s0 =	simm.s32 @p2 $0x1  }
0x17: {  	s4 =	simm.s32 $0x1BF5;
	[smem:$0x3FBB] =	sst s0  }
0x18: {  	s0 =	sld [smem:$0x3F9E];
	_ =	swait.ge [sflag:s4], $0x0  }
0x19: {  	s7 =	sld [smem:$0x3F9F]  }
0x1a: {  	s8 =	sadd.s32 $0xFFFFE003, lr  }
0x1b: {  	s9 =	sadd.s32 $0xFFFFFEF7, lr;
	s5 =	simm.s32 $0xFFFFFFFF;
	p2 =	slt.u32 s8, $0xFFFFF086  }
0x1c: {  	p1 =	slt.u32 s9, $0xF7A;
	s5 =	simm.s32 @!p2 $0x0  }
0x1d: {  	s5 =	simm.s32 @p1 $0x1;
	p0 =	seq.s32 s7, s2  }
0x1e: {  	s7 =	smul.u32 @!p0 $0xF7A, s2;
	p2 =	seq.s32 @!p0 s5, $0x0  }
0x1f: {  	s9 =	smul.u32 $0xF7A, s1;
	s8 =	simm.s32 @!p0 $0x1BF5;
	p2 =	por !p2, p0  }
0x20: {  	[sflag:s8] =	ssyncset.s32 @!p0 $0xFFFFF086;
	s6 =	sadd.s32 @!p0 s3, s7;
	s7 =	simm.s32 @!p0 $0x108  }
0x21: {  	s3 =	sadd.s32 s3, s9;
	s6 =	sadd.s32 @!p0 $0x88, s6;
	s7 =	simm.s32 @p2 $0x1082  }
0x22: {  	[simem:s7], [sflag:s8] =	dma.local @!p0 [hbm:s6], $0xF7A  }
0x23: {  	s9 =	sor.u32 $0xD0000000, s2;
	s6 =	simm.s32 $0x108;
	_ =	swait.ge @!p0 [sflag:s8], $0x0  }
0x24: {  	s3 =	sadd.s32 $0x88, s3;
	s6 =	simm.s32 @!p1 $0x1082;
	[sflag:s4] =	ssyncset.s32 $0xFFFFF086  }
0x25: {  	[simem:s6], [sflag:s4] =	dma.local [hbm:s3], $0xF7A  }
0x26: {  	[smem:$0x3F9F] =	sst s1;
	(tag) =	ssettag s2;
	_ =	strace s9  }
0x27: {  	s1 =	sld [smem:$0x3FAF]  }
0x28: {  	s2 =	sld [smem:$0x3FB0]  }
0x29: {  	s4 =	sld [smem:$0x3FB2]  }
0x2a: {  	p0 =	seq.s32 s5, $0x0;
	s5 =	sld [smem:$0x3FB3]  }
0x2b: {  	s6 =	sld [smem:$0x3FB4]  }
0x2c: {  	s7 =	sld [smem:$0x3FB5]  }
0x2d: {  	s3 =	simm.s32 $0x108;
	s8 =	sld [smem:$0x3FB6]  }
0x2e: {  	s3 =	simm.s32 @!p0 $0x1082;
	s9 =	sld [smem:$0x3FB7]  }
0x2f: {  	lr =	sadd.s32 s0, s3;
	s0 =	sld [smem:$0x3FAE]  }
0x30: {  	s3 =	sld [smem:$0x3FB1]  }
0x31: {  	[smem:$0x3FBA] =	sst s10  }
0x32: {  	s10 =	sld [smem:$0x3FB8];
	_ =	sdelay $0x3  }
0x33: {  	p0 =	seq.s32 s10, $0x1;
	s10 =	sld [smem:$0x3FBA];
	_ =	sdelay $0x3  }
0x34: {  	[smem:$0x3FBA] =	sst s10  }
0x35: {  	s10 =	sld [smem:$0x3FB9];
	_ =	sdelay $0x3  }
0x36: {  	p1 =	seq.s32 s10, $0x1;
	s10 =	sld [smem:$0x3FBA];
	_ =	sdelay $0x3  }
0x37: {  	[smem:$0x3FBA] =	sst s10  }
0x38: {  	s10 =	sld [smem:$0x3FBB]  }
0x39: {  	_ = 	snop;
	(pc) =	sbr.ind lr, $3  }
0x3a: {  	_ = 	snop  }
0x3b: {  	_ = 	snop  }
0x3c: {  	p2 =	seq.s32 s10, $0x1;
	s10 =	sld [smem:$0x3FBA]  }
0x3d: {  	_ =	shalt  }
0x3e: {  	_ =	shalt  }
0x3f: {  	_ =	shalt  }
0x40: {  	_ =	shalt  }
0x41: {  	_ =	shalt  }
0x42: {  	_ =	shalt  }
0x43: {  	_ =	shalt  }
0x44: {  	_ =	shalt  }
0x45: {  	_ =	shalt  }
0x46: {  	_ =	shalt  }
0x47: {  	_ =	shalt  }
0x48: {  	_ =	shalt  }
0x49: {  	_ =	shalt  }
0x4a: {  	_ =	shalt  }
0x4b: {  	_ =	shalt  }
0x4c: {  	_ =	shalt  }
0x4d: {  	_ =	shalt  }
0x4e: {  	_ =	shalt  }
0x4f: {  	_ =	shalt  }
0x50: {  	_ =	shalt  }
0x51: {  	_ =	shalt  }
0x52: {  	_ =	shalt  }
0x53: {  	_ =	shalt  }
0x54: {  	_ =	shalt  }
0x55: {  	_ =	shalt  }
0x56: {  	_ =	shalt  }
0x57: {  	_ =	shalt  }
0x58: {  	_ =	shalt  }
0x59: {  	_ =	shalt  }
0x5a: {  	_ =	shalt  }
0x5b: {  	_ =	shalt  }
0x5c: {  	_ =	shalt  }
0x5d: {  	_ =	shalt  }
0x5e: {  	_ =	shalt  }
0x5f: {  	_ =	shalt  }
0x60: {  	_ =	shalt  }
0x61: {  	_ =	shalt  }
0x62: {  	_ =	shalt  }
0x63: {  	_ =	shalt  }
0x64: {  	_ =	shalt  }
0x65: {  	_ =	shalt  }
0x66: {  	_ =	shalt  }
0x67: {  	_ =	shalt  }
0x68: {  	_ =	shalt  }
0x69: {  	_ =	shalt  }
0x6a: {  	_ =	shalt  }
0x6b: {  	_ =	shalt  }
0x6c: {  	_ =	shalt  }
0x6d: {  	_ =	shalt  }
0x6e: {  	_ =	shalt  }
0x6f: {  	_ =	shalt  }
0x70: {  	_ =	shalt  }
0x71: {  	_ =	shalt  }
0x72: {  	_ =	shalt  }
0x73: {  	_ =	shalt  }
0x74: {  	_ =	shalt  }
0x75: {  	_ =	shalt  }
0x76: {  	_ =	shalt  }
0x77: {  	_ =	shalt  }
0x78: {  	_ =	shalt  }
0x79: {  	_ =	shalt  }
0x7a: {  	_ =	shalt  }
0x7b: {  	_ =	shalt  }
0x7c: {  	_ =	shalt  }
0x7d: {  	_ =	shalt  }
0x7e: {  	_ =	shalt  }
0x7f: {  	_ =	shalt  }
0x80: {  	_ =	shalt  }
0x81: {  	_ =	shalt  }
0x82: {  	_ =	shalt  }
0x83: {  	_ =	shalt  }
0x84: {  	_ =	shalt  }
0x85: {  	_ =	shalt  }
0x86: {  	_ =	shalt  }
0x87: {  	_ =	shalt  }
.Lfunc_end0:
.L_simem_size_0:
called_computation_lowered:
.L_overlay_start_0:
0x88: {  	s2 =	sld [smem:$0x3FD9]  }
0x89: {  	s3 =	sld [smem:$0x3FFE];
	_ =	sdelay $0x1  }
0x8a: {  	s1 =	srdreg.scid  }
0x8b: {  	s0 =	sand.u32 $0x1, s1  }
0x8c: {  	s17 =	sshll.u32 s0, $0xA;
	s2 =	sadd.s32 s3, s2  }
0x8d: {  	s2 =	sadd.s32 s2, s17  }
0x8e: {  	[smem:$0x3FC6] =	sst s2  }
0x8f: {  	_ = 	snop  }
0x90: {  	s2 =	sld [smem:$0x3FC9];
	(tm) =	ssettm $0x1  }
0x91: {  	s18 =	sld [smem:$0x3FFB];
	_ =	sdelay $0x3  }
0x92: {  	_ =	strace s18  }
0x93: {  	s3 =	sld [smem:$0x3FFC];
	_ =	sdelay $0x3  }
0x94: {  	_ =	strace s3  }
0x95: {  	s3 =	sld [smem:$0x3FFD];
	_ =	sdelay $0x3  }
0x96: {  	_ =	strace s3  }
0x97: {  	_ =	strace $0x8FFFFFFF  }
0x98: {  	s19 =	sld [smem:$0x3FDB];
	_ =	sdelay $0x1  }
0x99: {  	s4 =	simm.s32 $_scs_section_size  }
0x9a: {  	s5 =	simm.s32 $_size__tile_overlayer_lowered;
	s6 =	simm.s32 $_tile_overlayer_lowered  }
0x9b: {  	s22 =	simm.s32 $0x1BFF;
	s21 =	sshll.u32 s6, $0x1;
	s3 =	sadd.s32 s4, s19  }
0x9c: {  	s7 =	simm.s32 $0x0;
	s20 =	sshll.u32 s5, $0x1;
	s5 =	sadd.s32 s21, s3  }
0x9d: {  	[timem:s7], [sflag:s22] =	dma.local [hbm:s5], s20  }
0x9e: {  	_ =	swait.ge [sflag:s22], s20  }
0x9f: {  	s4 =	ssub.s32 $0x0, s20;
	[sflag:s22] =	ssyncset.done $0x0  }
0xa0: {  	[sflag:s22] =	ssyncadd.s32 s4;
	_ =	sdelay $0x1  }
0xa1: {  	s23 =	simm.s32 $0x1B8B  }
0xa2: {  	_ =	swait.ge [sflag:s23], $0x1  }
0xa3: {  	[sflag:s23] =	ssyncset.done $0x0  }
0xa4: {  	s25 =	simm.s32 $0x1B8E;
	s24 =	sld [smem:$0x3FFE];
	[sflag:s23] =	ssyncadd.s32 $0xFFFFFFFF  }
0xa5: {  	s26 =	simm.s32 $execute0_lowered;
	[smem:$0x3FD2] =	sst s25  }
0xa6: {  	s5 =	sshll.u32 s26, $0x1;
	_ =	strace $0x80000046;
	[dreg:$0x1] =	wrdreg $0xFFFFFFFF  }
0xa7: {  	s28 =	simm.s32 $_size_execute0_lowered;
	s3 =	sadd.s32 s3, s5;
	[dreg:$0x0] =	wrdreg $0x0  }
0xa8: {  	s5 =	sshll.u32 s28, $0x1;
	[dreg:$0x2] =	wrdreg s3  }
0xa9: {  	[dreg:$0x3] =	wrdreg s5  }
0xaa: {  	[dreg:$0x4] =	wrdreg $0xC0  }
0xab: {  	_ =	task [dreg:s7], $0x5FFFF  }
0xac: {  	[dreg:$0x1] =	wrdreg $0xFFFFFFFF  }
0xad: {  	[dreg:$0x0] =	wrdreg $0x60  }
0xae: {  	[dreg:$0x2] =	wrdreg s2  }
0xaf: {  	[dreg:$0x3] =	wrdreg s24  }
0xb0: {  	[dreg:$0x4] =	wrdreg $0x9  }
0xb1: {  	_ =	task.clear_ibuf [dreg:s7], $0x5FFFF;
	_ =	strace $0x90000046  }
0xb2: {  	s29 =	simm.s32 $0x9;
	_ =	strace $0x80000048  }
0xb3: {  	_ =	swait.ge [sflag:s29], $0x1  }
0xb4: {  	[sflag:s29] =	ssyncadd.s32 $0xFFFFFFFF  }
0xb5: {  	_ =	strace $0x90000048  }
0xb6: {  	_ =	sfence  }
0xb7: {  	s30 =	sld [smem:$0x0];
	_ =	sdelay $0x2  }
0xb8: {  	s31 =	sshll.u32 s1, $0xD;
	s1 =	sshrl.u32 s1, $0x2  }
0xb9: {  	s3 =	sand.u32 $0x4000, s31;
	s1 =	sadd.s32 s1, s30  }
0xba: {  	s0 =	sor.u32 s3, s0;
	s1 =	sshll.u32 s1, $0x11  }
0xbb: {  	s0 =	sor.u32 s1, s0  }
0xbc: {  	s0 =	sadd.s32 $0x8F2B, s0  }
0xbd: {  	[sflag:s0] =	ssyncadd.remote.s32 $0x1  }
0xbe: {  	_ =	sfence.sel $0xFFFF  }
0xbf: {  	[dreg:$0x0] =	wrdreg $0xFFFFFFFF;
	(pc) =	sbr.abs _section_cstart, $3  }
0xc0: {  	[dreg:$0x1] =	wrdreg $0xFFFFFFFF  }
0xc1: {  	_ =	task.clear_ibuf [dreg:s7], $0x2FFFF;
	_ =	strace $0x9FFFFFFF  }
0xc2: {  	(tm) =	ssettm $0x7FFFFFFF  }
0xc3: {  	_ =	shalt  }
tec
execute0_lowered:
.L_overlay_start_1:
0x0: {  	(tag) =	ssettag $0x1  }
0x1: {  	s1 =	rddreg [dreg:$0x0]  }
0x2: {  	s4 =	rddreg [dreg:$0x1]  }
0x3: {  	s2 =	srdreg.scid;
	s0 =	rddreg [dreg:$0x2];
	s3 =	simm.s32 $0x0  }
0x4: {  	s9 =	simm.s32 $0x4080;
	s10 =	simm.s32 $0x1;
	s5 =	sand.u32 $0x1, s2  }
0x5: {  	v0 =	vimm.s32 $0x0;
	[smem:$0x7FF] =	sst s3;
	s2 =	stileid.u32;
	s6 =	sshll.u32 s5, $0x4  }
0x6: {  	v1 =	vimm.s32 $0x1;
	v2 =	vimm.s32 $0x2;
	v3 =	vimm.s32 $0x3;
	s11 =	simm.s32 $0x0;
	_ =	strace $0x80000047;
	s6 =	sor.u32 s2, s6  }
0x7: {  	v4 =	vimm.s32 $0x4;
	v5 =	vimm.s32 $0x5;
	v6 =	vimm.s32 $0x6;
	s5 =	ssub.s32 $0x2, s5;
	s7 =	sshll.u32 s6, $0x4;
	s6 =	sshll.u32 s6, $0xC  }
0x8: {  	v7 =	vimm.s32 $0x7;
	v8 =	vimm.s32 $0x8;
	v9 =	vimm.s32 $0x9;
	s31 =	sshrl.u32 s5, $0x1;
	s7 =	sadd.s32 s7, s4;
	s6 =	sadd.s32 s6, s4  }
0x9: {  	v10 =	vimm.s32 $0xA;
	v11 =	vimm.s32 $0xB;
	v12 =	vimm.s32 $0xC;
	s8 =	ssub.s32 s5, s31;
	s4 =	sadd.s32 $0x600, s7;
	s5 =	sadd.s32 $0x800, s6  }
0xa: {  	v13 =	vimm.s32 $0xD;
	v14 =	vimm.s32 $0xE;
	v15 =	vimm.s32 $0xF;
	s6 =	smax.u32 s8, $0x1;
	s7 =	simm.s32 $0x2;
	s8 =	simm.s32 $0x4000  }
.LBB2_1:
0xb: {  	[tilespmem:s3], [sflag:$0x2] =	stream.linear.gather [hbm4b:s1+s3], $0x4000, $0x38;
	[tilespmem:$0xC080] =	vst v63  }
0xc: {  	_ =	swait.ge [sflag:s7], $0x4000  }
0xd: {  	[sflag:s7] =	ssyncset.done $0x0  }
0xe: {  	[sflag:s7] =	ssyncadd.s32 $0xFFFFC000  }
0xf: {  	[tilespmem:s8], [sflag:$0x2] =	stream.linear.gather [hbm4b:s4+s3], $0x80, $0x38;
	[tilespmem:$0xC080] =	vst v63  }
0x10: {  	_ =	swait.ge [sflag:s7], $0x80  }
0x11: {  	[sflag:s7] =	ssyncset.done $0x0  }
0x12: {  	s12 =	simm.s32 $0x0;
	[sflag:s7] =	ssyncadd.s32 $0xFFFFFF80  }
.LBB2_2:
0x13: {  	s13 =	sshll.u32 s12, $0x6;
	s14 =	sshll.u32 s12, $0x9  }
0x14: {  	s15 =	sand.u32 $0x40, s13;
	s13 =	sand.u32 $0x3C00, s14  }
0x15: {  	s16 =	sor.u32 s15, s13  }
0x16: {  	v16 =	vld [tilespmem:s16+$0x0]  }
0x17: {  	v20 =	vld [tilespmem:s16+$0x80]  }
0x18: {  	s17 =	sor.u32 $0x10, s15;
	v24 =	vld [tilespmem:s16+$0x100]  }
0x19: {  	s19 =	sor.u32 $0x20, s15;
	s18 =	sor.u32 s17, s13;
	v28 =	vld [tilespmem:s16+$0x180]  }
0x1a: {  	s21 =	sor.u32 $0x30, s15;
	s20 =	sor.u32 s19, s13;
	v17 =	vld [tilespmem:s18+$0x0]  }
0x1b: {  	s22 =	sor.u32 s21, s13;
	v18 =	vld [tilespmem:s20+$0x0]  }
0x1c: {  	v19 =	vld [tilespmem:s22+$0x0]  }
0x1d: {  	v21 =	vld [tilespmem:s18+$0x80]  }
0x1e: {  	v22 =	vld [tilespmem:s20+$0x80]  }
0x1f: {  	v23 =	vld [tilespmem:s22+$0x80]  }
0x20: {  	v25 =	vld [tilespmem:s18+$0x100]  }
0x21: {  	v26 =	vld [tilespmem:s20+$0x100]  }
0x22: {  	v27 =	vld [tilespmem:s22+$0x100]  }
0x23: {  	v29 =	vld [tilespmem:s18+$0x180]  }
0x24: {  	s16 =	sor.u32 s14, s15;
	v30 =	vld [tilespmem:s20+$0x180]  }
0x25: {  	v31 =	vld [tilespmem:s22+$0x180];
	s25 =	sor.u32 $0x200, s16  }
0x26: {  	s20 =	sor.u32 s14, s17;
	s30 =	sor.u32 $0x280, s16;
	v32 =	vld [tilespmem:s25+$0x0]  }
0x27: {  	s22 =	sor.u32 s14, s19;
	s26 =	sor.u32 $0x200, s20;
	v36 =	vld [tilespmem:s30+$0x0]  }
0x28: {  	s14 =	sor.u32 s14, s21;
	s28 =	sor.u32 $0x200, s22;
	v33 =	vld [tilespmem:s26+$0x0]  }
0x29: {  	s29 =	sor.u32 $0x200, s14;
	v34 =	vld [tilespmem:s28+$0x0]  }
0x2a: {  	s31 =	sor.u32 $0x280, s20;
	v35 =	vld [tilespmem:s29+$0x0]  }
0x2b: {  	s23 =	sor.u32 $0x280, s22;
	v37 =	vld [tilespmem:s31+$0x0]  }
0x2c: {  	s24 =	sor.u32 $0x280, s14;
	v38 =	vld [tilespmem:s23+$0x0]  }
0x2d: {  	s25 =	sor.u32 $0x300, s16;
	v39 =	vld [tilespmem:s24+$0x0]  }
0x2e: {  	s16 =	sor.u32 $0x380, s16;
	v40 =	vld [tilespmem:s25+$0x0]  }
0x2f: {  	s30 =	sor.u32 $0x380, s20;
	v44 =	vld [tilespmem:s16+$0x0]  }
0x30: {  	s26 =	sor.u32 $0x300, s20;
	v45 =	vld [tilespmem:s30+$0x0]  }
0x31: {  	s28 =	sor.u32 $0x300, s22;
	v41 =	vld [tilespmem:s26+$0x0]  }
0x32: {  	s29 =	sor.u32 $0x300, s14;
	v42 =	vld [tilespmem:s28+$0x0]  }
0x33: {  	s31 =	sor.u32 $0x380, s22;
	v43 =	vld [tilespmem:s29+$0x0]  }
0x34: {  	v47 =	vmov s15;
	s13 =	sor.u32 $0x4080, s13;
	s14 =	sor.u32 $0x380, s14;
	v46 =	vld [tilespmem:s31+$0x0]  }
0x35: {  	s15 =	simm.s32 $0x4000;
	v49 =	vmov s17;
	v50 =	vmov s19;
	v51 =	vmov s21;
	s16 =	simm.s32 $0x0;
	v48 =	vld [tilespmem:s14+$0x0];
	s14 =	simm.s32 $0x0  }
.LBB2_3:
0x36: {  	v52 =	vld [tilespmem:s15+$0x0];
	_ =	sdelay $0x4  }
0x37: {  	v53 =	vperm.xlane v52, v0  }
0x38: {  	v54 =	vperm.xlane v52, v1;
	v55 =	vperm.xlane v52, v2  }
0x39: {  	v56 =	vperm.xlane v52, v3;
	v57 =	vperm.xlane v52, v4  }
0x3a: {  	v58 =	vperm.xlane v52, v5;
	v59 =	vperm.xlane v52, v6  }
0x3b: {  	v60 =	vperm.xlane v52, v7;
	v61 =	vmul.f32 v53, v16  }
0x3c: {  	v62 =	vmul.f32 v54, v20;
	v63 =	vmul.f32 v55, v24  }
0x3d: {  	v0 =	vmul.f32 v56, v28;
	v1 =	vmul.f32 v57, v32  }
0x3e: {  	v2 =	vmul.f32 v58, v36;
	v3 =	vmul.f32 v59, v40  }
0x3f: {  	v4 =	vmul.f32 v60, v44;
	v5 =	vmul.f32 v56, v29  }
0x40: {  	v6 =	vmul.f32 v58, v37;
	v7 =	vmul.f32 v60, v45  }
0x41: {  	v61 =	vadd.f32 v62, v61;
	v0 =	vadd.f32 v0, v63;
	v62 =	vmul.f32 v53, v17  }
0x42: {  	v63 =	vmul.f32 v54, v21;
	v1 =	vadd.f32 v2, v1;
	v2 =	vmul.f32 v55, v25  }
0x43: {  	v3 =	vadd.f32 v4, v3;
	v4 =	vmul.f32 v57, v33;
	v0 =	vadd.f32 v0, v61  }
0x44: {  	v61 =	vmul.f32 v59, v41;
	v62 =	vadd.f32 v63, v62;
	v2 =	vadd.f32 v5, v2  }
0x45: {  	v4 =	vadd.f32 v6, v4;
	v1 =	vadd.f32 v3, v1  }
0x46: {  	v6 =	vmul.f32 v56, v30;
	v63 =	vmul.f32 v60, v48;
	v5 =	vadd.f32 v7, v61  }
0x47: {  	v0 =	vadd.f32 v1, v0;
	v1 =	vmul.f32 v55, v26;
	v7 =	vmul.f32 v58, v38  }
0x48: {  	v2 =	vadd.f32 v2, v62;
	v61 =	vmul.f32 v59, v42;
	v62 =	vmul.f32 v60, v46  }
0x49: {  	v3 =	vadd.f32 v5, v4;
	v4 =	vmul.f32 v53, v18;
	v5 =	vmul.f32 v54, v22  }
0x4a: {  	v1 =	vadd.f32 v6, v1;
	v6 =	vadd.f32 v62, v61;
	v61 =	vmul.f32 v57, v35  }
0x4b: {  	v62 =	vmul.f32 v59, v43;
	v59 =	vperm.xlane v52, v14;
	v2 =	vadd.f32 v3, v2  }
0x4c: {  	v3 =	vmul.f32 v57, v34;
	v4 =	vadd.f32 v5, v4;
	v5 =	vmul.f32 v53, v19  }
0x4d: {  	v53 =	vmul.f32 v55, v27;
	v57 =	vperm.xlane v52, v10;
	v55 =	vadd.f32 v63, v62  }
0x4e: {  	v62 =	vmul.f32 v59, v40;
	v3 =	vadd.f32 v7, v3;
	v7 =	vmul.f32 v54, v23  }
0x4f: {  	v1 =	vadd.f32 v1, v4;
	v4 =	vmul.f32 v56, v31;
	v54 =	vperm.xlane v52, v11  }
0x50: {  	v56 =	vperm.xlane v52, v13;
	v60 =	vmul.f32 v57, v24  }
0x51: {  	v3 =	vadd.f32 v6, v3;
	v6 =	vmul.f32 v58, v39;
	v5 =	vadd.f32 v7, v5  }
0x52: {  	v7 =	vperm.xlane v52, v8;
	v4 =	vadd.f32 v4, v53;
	v53 =	vperm.xlane v52, v9  }
0x53: {  	s17 =	sand.u32 $0x4000, s14;
	v58 =	vperm.xlane v52, v12;
	v8 =	vmul.f32 v56, v37;
	v6 =	vadd.f32 v6, v61  }
0x54: {  	s18 =	sand.u32 $0x300, s16;
	s17 =	sadd.s32 s17, s13;
	v4 =	vadd.f32 v4, v5;
	v5 =	vperm.xlane v52, v15;
	v52 =	vmul.f32 v7, v16  }
0x55: {  	s17 =	sadd.s32 s18, s17;
	v1 =	vadd.f32 v3, v1;
	v3 =	vmul.f32 v54, v28;
	v6 =	vadd.f32 v55, v6  }
0x56: {  	[tilespmem:v47+s17+$0x0 ss:$0x1] =	vst.idx.msk $0xffff, v0;
	v61 =	vmul.f32 v58, v32;
	v55 =	vmul.f32 v53, v20  }
0x57: {  	v63 =	vmul.f32 v5, v44;
	v4 =	vadd.f32 v6, v4;
	v6 =	vmul.f32 v56, v36  }
0x58: {  	v3 =	vadd.f32 v3, v60;
	v60 =	vmul.f32 v53, v21;
	v9 =	vmul.f32 v5, v45  }
0x59: {  	v52 =	vadd.f32 v55, v52;
	v55 =	vmul.f32 v7, v17;
	v6 =	vadd.f32 v6, v61  }
0x5a: {  	v61 =	vadd.f32 v63, v62;
	v62 =	vmul.f32 v57, v25;
	v63 =	vmul.f32 v54, v29  }
0x5b: {  	v3 =	vadd.f32 v3, v52;
	v52 =	vmul.f32 v58, v33;
	v55 =	vadd.f32 v60, v55  }
0x5c: {  	v6 =	vadd.f32 v61, v6;
	v61 =	vmul.f32 v59, v41;
	v60 =	vadd.f32 v63, v62  }
0x5d: {  	v8 =	vadd.f32 v8, v52;
	v62 =	vmul.f32 v56, v38;
	v63 =	vmul.f32 v5, v46  }
0x5e: {  	v56 =	vmul.f32 v56, v39;
	v5 =	vmul.f32 v5, v48;
	v9 =	vadd.f32 v9, v61  }
0x5f: {  	v52 =	vadd.f32 v60, v55;
	v55 =	vmul.f32 v7, v18;
	v60 =	vmul.f32 v53, v22  }
0x60: {  	v61 =	vmul.f32 v54, v30;
	v3 =	vadd.f32 v6, v3;
	v6 =	vmul.f32 v58, v34  }
0x61: {  	[tilespmem:v49+s17+$0x0 ss:$0x1] =	vst.idx.msk $0xffff, v2;
	v7 =	vmul.f32 v7, v19;
	v53 =	vmul.f32 v53, v23  }
0x62: {  	v54 =	vmul.f32 v54, v31;
	v58 =	vmul.f32 v58, v35;
	v8 =	vadd.f32 v9, v8  }
0x63: {  	v9 =	vmul.f32 v57, v26;
	v55 =	vadd.f32 v60, v55;
	v57 =	vmul.f32 v57, v27  }
0x64: {  	v6 =	vadd.f32 v62, v6;
	v8 =	vadd.f32 v8, v52;
	v52 =	vmul.f32 v59, v42  }
0x65: {  	v0 =	vadd.f32 v53, v7;
	v2 =	vadd.f32 v56, v58;
	v59 =	vmul.f32 v59, v43  }
0x66: {  	v9 =	vadd.f32 v61, v9;
	v52 =	vadd.f32 v63, v52  }
0x67: {  	v7 =	vadd.f32 v54, v57;
	v5 =	vadd.f32 v5, v59  }
0x68: {  	p0 =	sne.s32 s16, $0x700;
	[tilespmem:v50+s17+$0x0 ss:$0x1] =	vst.idx.msk $0xffff, v1;
	v1 =	vadd.f32 v9, v55;
	v6 =	vadd.f32 v52, v6  }
.Ltmp0:
0x69: {  	[tilespmem:v51+s17+$0x0 ss:$0x1] =	vst.idx.msk $0xffff, v4;
	s17 =	sadd.s32 $0x80, s17;
	v0 =	vadd.f32 v7, v0;
	v2 =	vadd.f32 v5, v2;
	(pc) =	sbr.rel @p0 .LBB2_3-.Ltmp0, $4  }
0x6a: {  	v4 =	vimm.s32 $0x4;
	[tilespmem:v47+s17+$0x0 ss:$0x1] =	vst.idx.msk $0xffff, v3;
	v3 =	vimm.s32 $0x3;
	v1 =	vadd.f32 v6, v1  }
0x6b: {  	v9 =	vimm.s32 $0x9;
	v7 =	vimm.s32 $0x7;
	[tilespmem:v49+s17+$0x0 ss:$0x1] =	vst.idx.msk $0xffff, v8;
	v0 =	vadd.f32 v2, v0  }
0x6c: {  	v8 =	vimm.s32 $0x8;
	v5 =	vimm.s32 $0x5;
	v6 =	vimm.s32 $0x6;
	[tilespmem:v50+s17+$0x0 ss:$0x1] =	vst.idx.msk $0xffff, v1  }
0x6d: {  	s14 =	sadd.s32 $0x1000, s14;
	s15 =	sadd.s32 $0x10, s15;
	s16 =	sadd.s32 $0x100, s16;
	v2 =	vimm.s32 $0x2;
	v1 =	vimm.s32 $0x1;
	[tilespmem:v51+s17+$0x0 ss:$0x1] =	vst.idx.msk $0xffff, v0;
	v0 =	vimm.s32 $0x0  }
0x6e: {  	s12 =	sadd.s32 $0x1, s12  }
0x6f: {  	p0 =	sne.s32 s12, $0x20  }
.Ltmp1:
0x70: {  	_ = 	snop;
	(pc) =	sbr.rel @p0 .LBB2_2-.Ltmp1, $1  }
0x71: {  	_ =	sdelay $0x3  }
0x72: {  	s11 =	sadd.s32 $0x1, s11  }
0x73: {  	p0 =	sne.s32 s11, s6  }
.Ltmp2:
0x74: {  	_ = 	snop;
	(pc) =	sbr.rel @p0 .LBB2_1-.Ltmp2, $4  }
0x75: {  	[hbm4b:s5+s3] =	stream.linear.scatter [tilespmem:s9], [sflag:$0x1], $0x8000, $0x38;
	[tilespmem:$0xC080] =	vst v63  }
0x76: {  	_ =	swait.ge [sflag:s10], $0x8000  }
0x77: {  	[sflag:s10] =	ssyncset.done $0x0  }
0x78: {  	[sflag:s10] =	ssyncadd.s32 $0xFFFF8000  }
0x79: {  	_ =	sfence.sel $0x180000  }
0x7a: {  	[bflag:$0x0] =	sbarrier.arrive $0xFFFF  }
0x7b: {  	p0 =	sne.s32 s2, $0x0;
	_ =	strace $0x90000047  }
0x7c: {  	s0 =	sadd.s32 @!p0 $0x100000, s0;
	[bflag:$0x2] =	sbarrier.arrive $0xFFFF  }
0x7d: {  	[sflag:s0] =	ssyncadd.tile.s32 @!p0 $0x1;
	_ =	shalt  }
.Lfunc_end2:
_tile_overlayer_lowered:
.L_overlay_start_2:
0x7e: {  	(tag) =	ssettag $0x2  }
0x7f: {  	s0 =	rddreg [dreg:$0x0];
	s2 =	stileid.u32  }
0x80: {  	s1 =	rddreg [dreg:$0x1];
	p0 =	sne.s32 s2, $0x0  }
0x81: {  	s3 =	rddreg [dreg:$0x2];
	[bflag:$0x3] =	sbarrier.arrive $0xFFFF;
	s2 =	simm.s32 @!p0 $0x1C02  }
0x82: {  	[timem:s3], [sflag:s2] =	dma.local @!p0 [hbm:s0], s1  }
0x83: {  	s0 =	simm.s32 @!p0 $0x2  }
0x84: {  	_ =	swait.ge @!p0 [sflag:s0], s1  }
0x85: {  	s1 =	ssub.s32 @!p0 $0x0, s1;
	[sflag:s0] =	ssyncset.done @!p0 $0x0  }
0x86: {  	[sflag:s0] =	ssyncadd.s32 @!p0 s1  }
0x87: {  	[bflag:$0x3] =	sbarrier.arrive $0xFFFF  }
0x88: {  	_ =	shalt  }

</sc_bundles>
